<compile_context>
chip_gen: v7x
topology: tpu7x:2x2x1
jax: 0.10.2.dev20260603
libtpu: 0.0.44.dev20260713+nightly
codegen_flags: <defaults>
</compile_context>

<pallas_src>
import functools

import jax
import jax.numpy as jnp
from jax import lax
from jax.experimental import pallas as pl
from jax.experimental.pallas import tpu as pltpu
from jax.experimental.pallas import tpu_sc as plsc

NC = 2
NS = 16
NW = NC * NS
CH = 80
NBUF = 4
GB = 16
SC0_FRAC = 0.5


def _sc_aggregate(n_pad, d, n0, n1):
    rows_per_tile = n_pad // NS
    mesh = plsc.VectorSubcoreMesh(core_axis_name="c", subcore_axis_name="s")

    @functools.partial(
        pl.kernel,
        mesh=mesh,
        out_type=jax.ShapeDtypeStruct((NC, n_pad, d), jnp.float32),
        scratch_types=[
            pltpu.VMEM((2 * GB, CH), jnp.int32),
            pltpu.VMEM((2 * GB, CH), jnp.int32),
            pltpu.VMEM((NBUF, CH, d), jnp.float32),
            pltpu.VMEM_SHARED((n_pad, d), jnp.float32),
            pltpu.SemaphoreType.DMA((NBUF,)),
            pltpu.SemaphoreType.DMA((NBUF,)),
            pltpu.SemaphoreType.DMA,
        ],
    )
    def body(ei_hbm, zero_hbm, x_hbm, out_hbm, sidx, didx, rows, agg, gsem, ssem, isem):
        cid = lax.axis_index("c")
        sid = lax.axis_index("s")

        with jax.named_scope("zero_acc"):
            def zcopy(t, _):
                pltpu.sync_copy(zero_hbm, agg.at[pl.ds(sid * rows_per_tile + t * CH, CH)])
                return 0
            lax.fori_loop(0, rows_per_tile // CH, zcopy, 0)

        start = jnp.where(cid == 0, sid * n0, NS * n0 + sid * n1)
        ngroup_w = jnp.where(cid == 0, n0 // GB, n1 // GB)

        with jax.named_scope("idx_prologue"):
            pltpu.sync_copy(ei_hbm.at[0, pl.ds(start, GB)], sidx.at[pl.ds(0, GB)])
            pltpu.sync_copy(ei_hbm.at[1, pl.ds(start, GB)], didx.at[pl.ds(0, GB)])
            plsc.subcore_barrier()

            @pl.when(ngroup_w > 1)
            def _():
                pltpu.async_copy(ei_hbm.at[0, pl.ds(start + GB, GB)], sidx.at[pl.ds(GB, GB)], isem)
                pltpu.async_copy(ei_hbm.at[1, pl.ds(start + GB, GB)], didx.at[pl.ds(GB, GB)], isem)

        def swait(b):
            pltpu.make_async_copy(rows.at[b], agg.at[didx.at[0]], ssem.at[b]).wait()

        def iwait():
            pltpu.make_async_copy(ei_hbm.at[0, pl.ds(0, GB)], sidx.at[pl.ds(0, GB)], isem).wait()
            pltpu.make_async_copy(ei_hbm.at[1, pl.ds(0, GB)], didx.at[pl.ds(0, GB)], isem).wait()

        with jax.named_scope("edge_loop"):
            def group_body(gi, _):
                slot = lax.rem(gi, 2)
                base = slot * GB

                @pl.when(gi > 0)
                def _():
                    iwait()

                for p in range(NBUF - 1):
                    pltpu.async_copy(x_hbm.at[sidx.at[base + p]], rows.at[p], gsem.at[p])

                def kk_body(kk, _):
                    for b in range(NBUF):
                        k = kk * NBUF + b
                        row = base + k
                        bn = (b + NBUF - 1) % NBUF
                        pltpu.make_async_copy(x_hbm.at[sidx.at[row]], rows.at[b], gsem.at[b]).wait()
                        pltpu.async_copy(rows.at[b], agg.at[didx.at[row]], ssem.at[b], add=True)

                        @pl.when(k > 0)
                        def _():
                            swait(bn)

                        @pl.when(k < GB - NBUF + 1)
                        def _():
                            pltpu.async_copy(x_hbm.at[sidx.at[row + NBUF - 1]], rows.at[bn], gsem.at[bn])
                    return 0
                lax.fori_loop(0, GB // NBUF, kk_body, 0)
                swait((GB - 1) % NBUF)

                @pl.when(gi + 2 < ngroup_w)
                def _():
                    off = start + (gi + 2) * GB
                    pltpu.async_copy(ei_hbm.at[0, pl.ds(off, GB)], sidx.at[pl.ds(base, GB)], isem)
                    pltpu.async_copy(ei_hbm.at[1, pl.ds(off, GB)], didx.at[pl.ds(base, GB)], isem)
                return 0
            lax.fori_loop(0, ngroup_w, group_body, 0)
            plsc.subcore_barrier()

        with jax.named_scope("writeout"):
            def wcopy(t, _):
                r0 = sid * rows_per_tile + t * CH
                pltpu.sync_copy(agg.at[pl.ds(r0, CH)], out_hbm.at[cid, pl.ds(r0, CH)])
                return 0
            lax.fori_loop(0, rows_per_tile // CH, wcopy, 0)

    return body


def _mlp(x, partial, W1, b1, W2, b2, eps, blk):
    n, d = x.shape

    def body(eps_ref, x_ref, a0_ref, a1_ref, w1_ref, b1_ref, w2_ref, b2_ref, o_ref):
        s = 1.0 + eps_ref[0, 0]
        out = s * x_ref[...] + a0_ref[0] + a1_ref[0]
        h = jnp.dot(out, w1_ref[...], preferred_element_type=jnp.float32)
        h = jnp.maximum(h + b1_ref[...], 0.0)
        o_ref[...] = jnp.dot(h, w2_ref[...], preferred_element_type=jnp.float32) + b2_ref[...]

    return pl.pallas_call(
        body,
        grid=(n // blk,),
        in_specs=[
            pl.BlockSpec(memory_space=pltpu.SMEM),
            pl.BlockSpec((blk, d), lambda i: (i, 0)),
            pl.BlockSpec((1, blk, d), lambda i: (0, i, 0)),
            pl.BlockSpec((1, blk, d), lambda i: (1, i, 0)),
            pl.BlockSpec((d, d), lambda i: (0, 0)),
            pl.BlockSpec((1, d), lambda i: (0, 0)),
            pl.BlockSpec((d, d), lambda i: (0, 0)),
            pl.BlockSpec((1, d), lambda i: (0, 0)),
        ],
        out_specs=pl.BlockSpec((blk, d), lambda i: (i, 0)),
        out_shape=jax.ShapeDtypeStruct((n, d), jnp.float32),
    )(eps, x, partial, partial, W1, b1.reshape(1, d), W2, b2.reshape(1, d))


def kernel(x, edge_index, W1, b1, W2, b2, eps):
    n, d = x.shape
    e = edge_index.shape[1]

    pair = 2 * (-(-e // (NW * CH * GB)) * GB)
    n0 = GB * max(1, min(pair // GB - 1, round(SC0_FRAC * pair / GB)))
    n1 = pair - n0
    e_pad = NS * pair * CH
    n_pad = -(-(n + 1) // (NS * CH)) * (NS * CH)

    pad = e_pad - e
    pad_src = jnp.arange(pad, dtype=jnp.int32) % n
    pad_dst = n + jnp.arange(pad, dtype=jnp.int32) % (n_pad - n)
    ei_pad = jnp.concatenate(
        [edge_index, jnp.stack([pad_src, pad_dst])], axis=1
    ).reshape(2, -1, CH)

    partial = _sc_aggregate(n_pad, d, n0, n1)(
        ei_pad, jnp.zeros((CH, d), jnp.float32), x)

    blk = 2000 if n % 2000 == 0 else (1250 if n % 1250 == 0 else n)
    return _mlp(x, partial, W1, b1, W2, b2, eps, blk)

# --- scband reference (transcript-rebuilt; emitter-appended) ---
"""Pipeline reference for scband-ginconv-ptens-50869592655547 (READ-ONLY COPY).

The authoritative reference and input builder live on the scoring server;
editing this copy changes nothing except your own understanding.
"""

import jax, jax.numpy as jnp
import numpy as np

N = 10000
E = 320000
D = 128


def setup_inputs(seed: int = 0) -> dict:
    key = jax.random.key(seed)
    k1, k2, k3, k4, k5, k6 = jax.random.split(key, 6)
    x = jax.random.normal(k1, (N, D), dtype=jnp.float32)
    edge_index = jax.random.randint(k2, (2, E), 0, N, dtype=jnp.int32)
    # GIN MLP parameters (nn = Linear(D,D) -> ReLU -> Linear(D,D))
    W1 = jax.random.normal(k3, (D, D), dtype=jnp.float32) * 0.05
    b1 = jnp.zeros((D,), dtype=jnp.float32)
    W2 = jax.random.normal(k4, (D, D), dtype=jnp.float32) * 0.05
    b2 = jnp.zeros((D,), dtype=jnp.float32)
    # learnable eps, shape [[eps]] like the torch module
    eps = jnp.zeros((1, 1), dtype=jnp.float32)
    return {"x": x, "edge_index": edge_index, "W1": W1, "b1": b1, "W2": W2, "b2": b2, "eps": eps}


def reference(x, edge_index, W1, b1, W2, b2, eps):
    # ptens semantics (edge_attr=None branch):
    #   node2edge = gather node features to each edge (sum of the two endpoint features)
    #   neighbor  = gather edge features back to nodes (sum over incident edges)
    #   neighbor  = neighbor - x * degree  (removes the self contribution deg(i)*x_i)
    #   out       = (1 + eps) * x + neighbor ; then apply the MLP nn
    src = edge_index[0]
    dst = edge_index[1]
    node2edge = x[src] + x[dst]                      # [E, D] gather
    neighbor = jax.ops.segment_sum(node2edge, dst, num_segments=x.shape[0])  # [N, D] scatter-add
    degree = jax.ops.segment_sum(jnp.ones_like(dst, dtype=jnp.float32), dst,
                                 num_segments=x.shape[0]).reshape(-1, 1)     # [N, 1]
    neighbor = neighbor - x * degree
    out = (1.0 + eps) * x + neighbor
    h = jax.nn.relu(out @ W1 + b1)
    return h @ W2 + b2

if __name__ == "__main__":
    import jax
    _d = setup_inputs()
    print(jax.jit(kernel)(*tuple(_d.values())))

</pallas_src>

<mosaic_0001>
#map = affine_map<(d0, d1) -> (0, 0, 0)>
#map1 = affine_map<(d0, d1) -> (0, 0)>
module attributes {stable_mosaic.version = 14 : i64} {
  func.func @body(%arg0: i32, %arg1: i32, %arg2: memref<2x4096x80xi32, #tpu.memory_space<hbm>>, %arg3: memref<80x128xf32, #tpu.memory_space<hbm>>, %arg4: memref<10000x128xf32, #tpu.memory_space<hbm>>, %arg5: memref<2x10240x128xf32, #tpu.memory_space<hbm>>, %arg6: memref<32x80xi32, #tpu.memory_space<vmem>>, %arg7: memref<32x80xi32, #tpu.memory_space<vmem>>, %arg8: memref<4x80x128xf32, #tpu.memory_space<vmem>>, %arg9: memref<10240x128xf32, #tpu.memory_space<vmem_shared>>, %arg10: memref<4x!tpu.dma_semaphore, #tpu.memory_space<semaphore_mem>>, %arg11: memref<4x!tpu.dma_semaphore, #tpu.memory_space<semaphore_mem>>, %arg12: memref<!tpu.dma_semaphore, #tpu.memory_space<semaphore_mem>>) attributes {dimension_semantics = [#tpu.dimension_semantics<core_parallel>, #tpu.dimension_semantics<subcore_parallel>], iteration_bounds = array<i64: 2, 16>, scalar_prefetch = 0 : i64, scratch_operands = 7 : i64, tpu.core_type = #tpu.core_type<sc_vector_subcore>, window_params = [{transform_indices = #map}, {transform_indices = #map1}, {transform_indices = #map1}, {transform_indices = #map}]} {
    "tpu.trace_start"() <{level = 10 : i32, message = "zero_acc"}> : () -> ()
    %scan3A = arith.constant 0 : i32
    %scan3A_0 = arith.constant 0 : i32
    %scan3A_1 = arith.constant 8 : i32
    %scan3A_2 = arith.addi %scan3A_0, %scan3A_1 : i32
    %scan3A_3 = arith.constant 1 : i32
    %scan3A_4 = scf.for %scan3A_37 = %scan3A_0 to %scan3A_2 step %scan3A_3 iter_args(%scan3A_38 = %scan3A) -> (i32)  : i32 {
      %mul3A_39 = arith.constant 640 : i32
      %mul3A_40 = arith.muli %arg1, %mul3A_39 : i32
      %mul3A_41 = arith.constant 80 : i32
      %mul3A_42 = arith.muli %scan3A_37, %mul3A_41 : i32
      %add3A_43 = arith.addi %mul3A_40, %mul3A_42 : i32
      "tpu.region"() ({
        %run_scoped3A_45 = tpu.sem_alloc : memref<!tpu.dma_semaphore, #tpu.memory_space<semaphore_mem>>
        %dma_start3A = arith.constant 0 : i32
        %dma_start3A_46 = tpu.memref_slice %arg9[%add3A_43, %dma_start3A] : memref<10240x128xf32, #tpu.memory_space<vmem_shared>> -> memref<80x128xf32, #tpu.memory_space<vmem_shared>>
        tpu.enqueue_dma source(%arg3 : memref<80x128xf32, #tpu.memory_space<hbm>>) target(%dma_start3A_46 : memref<80x128xf32, #tpu.memory_space<vmem_shared>>) target_semaphore(%run_scoped3A_45 : memref<!tpu.dma_semaphore, #tpu.memory_space<semaphore_mem>>)
        %dma_wait3A = arith.constant 0 : i32
        %dma_wait3A_47 = tpu.memref_slice %arg9[%add3A_43, %dma_wait3A] : memref<10240x128xf32, #tpu.memory_space<vmem_shared>> -> memref<80x128xf32, #tpu.memory_space<vmem_shared>>
        tpu.wait_dma2 semaphore(%run_scoped3A_45 : memref<!tpu.dma_semaphore, #tpu.memory_space<semaphore_mem>>) src(%arg3 : memref<80x128xf32, #tpu.memory_space<hbm>>) dst(%dma_wait3A_47 : memref<80x128xf32, #tpu.memory_space<vmem_shared>>)
        tpu.yield
      }) : () -> ()
      %scan3A_44 = arith.constant 0 : i32
      scf.yield %scan3A_44 : i32
    }
    %scan3A_5 = arith.constant 8 : i32
    %eq3A = arith.constant 0 : i32
    "tpu.trace_stop"() : () -> ()
    %eq3A_6 = arith.cmpi eq, %arg0, %eq3A : i32
    %mul3A = arith.constant 128 : i32
    %mul3A_7 = arith.muli %arg1, %mul3A : i32
    %mul3A_8 = arith.constant 128 : i32
    %mul3A_9 = arith.muli %arg1, %mul3A_8 : i32
    %add3A = arith.constant 2048 : i32
    %add3A_10 = arith.addi %add3A, %mul3A_9 : i32
    %select_n3A = arith.select %eq3A_6, %mul3A_7, %add3A_10 : i32
    %eq3A_11 = arith.constant 0 : i32
    %eq3A_12 = arith.cmpi eq, %arg0, %eq3A_11 : i32
    %jit3A = arith.constant 8 : i32
    %jit3A_13 = arith.constant 8 : i32
    %select_n3A_14 = arith.select %eq3A_12, %jit3A, %jit3A_13 : i32
    %run_scoped3A = arith.constant 0 : i32
    "tpu.trace_start"() <{level = 10 : i32, message = "idx_prologue"}> : () -> ()
    "tpu.region"() ({
      %run_scoped3A_37 = tpu.sem_alloc : memref<!tpu.dma_semaphore, #tpu.memory_space<semaphore_mem>>
      %dma_start3A = arith.constant 0 : i32
      %dma_start3A_38 = arith.constant 0 : i32
      %dma_start3A_39 = tpu.memref_slice %arg6[%dma_start3A, %dma_start3A_38] : memref<32x80xi32, #tpu.memory_space<vmem>> -> memref<16x80xi32, #tpu.memory_space<vmem>>
      %dma_start3A_40 = arith.constant 0 : i32
      %dma_start3A_41 = tpu.memref_slice %arg2[%run_scoped3A, %select_n3A, %dma_start3A_40] : memref<2x4096x80xi32, #tpu.memory_space<hbm>> -> memref<1x16x80xi32, #tpu.memory_space<hbm>>
      %dma_start3A_42 = tpu.memref_squeeze %dma_start3A_41 : memref<1x16x80xi32, #tpu.memory_space<hbm>> -> memref<16x80xi32, #tpu.memory_space<hbm>>
      %dma_start3A_43 = arith.constant 0 : i32
      %dma_start3A_44 = arith.constant 0 : i32
      %dma_start3A_45 = tpu.memref_slice %arg6[%dma_start3A_43, %dma_start3A_44] : memref<32x80xi32, #tpu.memory_space<vmem>> -> memref<16x80xi32, #tpu.memory_space<vmem>>
      %dma_start3A_46 = arith.constant 0 : i32
      %dma_start3A_47 = tpu.memref_slice %arg2[%run_scoped3A, %select_n3A, %dma_start3A_46] : memref<2x4096x80xi32, #tpu.memory_space<hbm>> -> memref<1x16x80xi32, #tpu.memory_space<hbm>>
      %dma_start3A_48 = tpu.memref_squeeze %dma_start3A_47 : memref<1x16x80xi32, #tpu.memory_space<hbm>> -> memref<16x80xi32, #tpu.memory_space<hbm>>
      tpu.enqueue_dma source(%dma_start3A_48 : memref<16x80xi32, #tpu.memory_space<hbm>>) target(%dma_start3A_45 : memref<16x80xi32, #tpu.memory_space<vmem>>) target_semaphore(%run_scoped3A_37 : memref<!tpu.dma_semaphore, #tpu.memory_space<semaphore_mem>>)
      %dma_wait3A = arith.constant 0 : i32
      %dma_wait3A_49 = arith.constant 0 : i32
      %dma_wait3A_50 = tpu.memref_slice %arg6[%dma_wait3A, %dma_wait3A_49] : memref<32x80xi32, #tpu.memory_space<vmem>> -> memref<16x80xi32, #tpu.memory_space<vmem>>
      %dma_wait3A_51 = arith.constant 0 : i32
      %dma_wait3A_52 = tpu.memref_slice %arg2[%run_scoped3A, %select_n3A, %dma_wait3A_51] : memref<2x4096x80xi32, #tpu.memory_space<hbm>> -> memref<1x16x80xi32, #tpu.memory_space<hbm>>
      %dma_wait3A_53 = tpu.memref_squeeze %dma_wait3A_52 : memref<1x16x80xi32, #tpu.memory_space<hbm>> -> memref<16x80xi32, #tpu.memory_space<hbm>>
      %dma_wait3A_54 = arith.constant 0 : i32
      %dma_wait3A_55 = arith.constant 0 : i32
      %dma_wait3A_56 = tpu.memref_slice %arg6[%dma_wait3A_54, %dma_wait3A_55] : memref<32x80xi32, #tpu.memory_space<vmem>> -> memref<16x80xi32, #tpu.memory_space<vmem>>
      %dma_wait3A_57 = arith.constant 0 : i32
      %dma_wait3A_58 = tpu.memref_slice %arg2[%run_scoped3A, %select_n3A, %dma_wait3A_57] : memref<2x4096x80xi32, #tpu.memory_space<hbm>> -> memref<1x16x80xi32, #tpu.memory_space<hbm>>
      %dma_wait3A_59 = tpu.memref_squeeze %dma_wait3A_58 : memref<1x16x80xi32, #tpu.memory_space<hbm>> -> memref<16x80xi32, #tpu.memory_space<hbm>>
      tpu.wait_dma2 semaphore(%run_scoped3A_37 : memref<!tpu.dma_semaphore, #tpu.memory_space<semaphore_mem>>) src(%dma_wait3A_59 : memref<16x80xi32, #tpu.memory_space<hbm>>) dst(%dma_wait3A_56 : memref<16x80xi32, #tpu.memory_space<vmem>>)
      tpu.yield
    }) : () -> ()
    %run_scoped3A_15 = arith.constant 1 : i32
    "tpu.region"() ({
      %run_scoped3A_37 = tpu.sem_alloc : memref<!tpu.dma_semaphore, #tpu.memory_space<semaphore_mem>>
      %dma_start3A = arith.constant 0 : i32
      %dma_start3A_38 = arith.constant 0 : i32
      %dma_start3A_39 = tpu.memref_slice %arg7[%dma_start3A, %dma_start3A_38] : memref<32x80xi32, #tpu.memory_space<vmem>> -> memref<16x80xi32, #tpu.memory_space<vmem>>
      %dma_start3A_40 = arith.constant 0 : i32
      %dma_start3A_41 = tpu.memref_slice %arg2[%run_scoped3A_15, %select_n3A, %dma_start3A_40] : memref<2x4096x80xi32, #tpu.memory_space<hbm>> -> memref<1x16x80xi32, #tpu.memory_space<hbm>>
      %dma_start3A_42 = tpu.memref_squeeze %dma_start3A_41 : memref<1x16x80xi32, #tpu.memory_space<hbm>> -> memref<16x80xi32, #tpu.memory_space<hbm>>
      %dma_start3A_43 = arith.constant 0 : i32
      %dma_start3A_44 = arith.constant 0 : i32
      %dma_start3A_45 = tpu.memref_slice %arg7[%dma_start3A_43, %dma_start3A_44] : memref<32x80xi32, #tpu.memory_space<vmem>> -> memref<16x80xi32, #tpu.memory_space<vmem>>
      %dma_start3A_46 = arith.constant 0 : i32
      %dma_start3A_47 = tpu.memref_slice %arg2[%run_scoped3A_15, %select_n3A, %dma_start3A_46] : memref<2x4096x80xi32, #tpu.memory_space<hbm>> -> memref<1x16x80xi32, #tpu.memory_space<hbm>>
      %dma_start3A_48 = tpu.memref_squeeze %dma_start3A_47 : memref<1x16x80xi32, #tpu.memory_space<hbm>> -> memref<16x80xi32, #tpu.memory_space<hbm>>
      tpu.enqueue_dma source(%dma_start3A_48 : memref<16x80xi32, #tpu.memory_space<hbm>>) target(%dma_start3A_45 : memref<16x80xi32, #tpu.memory_space<vmem>>) target_semaphore(%run_scoped3A_37 : memref<!tpu.dma_semaphore, #tpu.memory_space<semaphore_mem>>)
      %dma_wait3A = arith.constant 0 : i32
      %dma_wait3A_49 = arith.constant 0 : i32
      %dma_wait3A_50 = tpu.memref_slice %arg7[%dma_wait3A, %dma_wait3A_49] : memref<32x80xi32, #tpu.memory_space<vmem>> -> memref<16x80xi32, #tpu.memory_space<vmem>>
      %dma_wait3A_51 = arith.constant 0 : i32
      %dma_wait3A_52 = tpu.memref_slice %arg2[%run_scoped3A_15, %select_n3A, %dma_wait3A_51] : memref<2x4096x80xi32, #tpu.memory_space<hbm>> -> memref<1x16x80xi32, #tpu.memory_space<hbm>>
      %dma_wait3A_53 = tpu.memref_squeeze %dma_wait3A_52 : memref<1x16x80xi32, #tpu.memory_space<hbm>> -> memref<16x80xi32, #tpu.memory_space<hbm>>
      %dma_wait3A_54 = arith.constant 0 : i32
      %dma_wait3A_55 = arith.constant 0 : i32
      %dma_wait3A_56 = tpu.memref_slice %arg7[%dma_wait3A_54, %dma_wait3A_55] : memref<32x80xi32, #tpu.memory_space<vmem>> -> memref<16x80xi32, #tpu.memory_space<vmem>>
      %dma_wait3A_57 = arith.constant 0 : i32
      %dma_wait3A_58 = tpu.memref_slice %arg2[%run_scoped3A_15, %select_n3A, %dma_wait3A_57] : memref<2x4096x80xi32, #tpu.memory_space<hbm>> -> memref<1x16x80xi32, #tpu.memory_space<hbm>>
      %dma_wait3A_59 = tpu.memref_squeeze %dma_wait3A_58 : memref<1x16x80xi32, #tpu.memory_space<hbm>> -> memref<16x80xi32, #tpu.memory_space<hbm>>
      tpu.wait_dma2 semaphore(%run_scoped3A_37 : memref<!tpu.dma_semaphore, #tpu.memory_space<semaphore_mem>>) src(%dma_wait3A_59 : memref<16x80xi32, #tpu.memory_space<hbm>>) dst(%dma_wait3A_56 : memref<16x80xi32, #tpu.memory_space<vmem>>)
      tpu.yield
    }) : () -> ()
    %barrier3A = arith.constant 0 : index
    tpu.barrier barrier_id(%barrier3A)
    %gt3A = arith.constant 1 : i32
    %gt3A_16 = arith.cmpi sgt, %select_n3A_14, %gt3A : i32
    %convert_element_type3A = arith.extui %gt3A_16 : i1 to i32
    %cond3A = arith.constant 0 : i32
    %cond3A_17 = arith.cmpi ne, %convert_element_type3A, %cond3A : i32
    scf.if %cond3A_17 {
      %add3A_37 = arith.constant 16 : i32
      %add3A_38 = arith.addi %select_n3A, %add3A_37 : i32
      %dma_start3A = arith.constant 0 : i32
      %dma_start3A_39 = arith.constant 16 : i32
      %dma_start3A_40 = arith.constant 0 : i32
      %dma_start3A_41 = tpu.memref_slice %arg6[%dma_start3A_39, %dma_start3A_40] : memref<32x80xi32, #tpu.memory_space<vmem>> -> memref<16x80xi32, #tpu.memory_space<vmem>>
      %dma_start3A_42 = arith.constant 0 : i32
      %dma_start3A_43 = tpu.memref_slice %arg2[%dma_start3A, %add3A_38, %dma_start3A_42] : memref<2x4096x80xi32, #tpu.memory_space<hbm>> -> memref<1x16x80xi32, #tpu.memory_space<hbm>>
      %dma_start3A_44 = tpu.memref_squeeze %dma_start3A_43 : memref<1x16x80xi32, #tpu.memory_space<hbm>> -> memref<16x80xi32, #tpu.memory_space<hbm>>
      %dma_start3A_45 = arith.constant 16 : i32
      %dma_start3A_46 = arith.constant 0 : i32
      %dma_start3A_47 = tpu.memref_slice %arg6[%dma_start3A_45, %dma_start3A_46] : memref<32x80xi32, #tpu.memory_space<vmem>> -> memref<16x80xi32, #tpu.memory_space<vmem>>
      %dma_start3A_48 = arith.constant 0 : i32
      %dma_start3A_49 = tpu.memref_slice %arg2[%dma_start3A, %add3A_38, %dma_start3A_48] : memref<2x4096x80xi32, #tpu.memory_space<hbm>> -> memref<1x16x80xi32, #tpu.memory_space<hbm>>
      %dma_start3A_50 = tpu.memref_squeeze %dma_start3A_49 : memref<1x16x80xi32, #tpu.memory_space<hbm>> -> memref<16x80xi32, #tpu.memory_space<hbm>>
      tpu.enqueue_dma source(%dma_start3A_50 : memref<16x80xi32, #tpu.memory_space<hbm>>) target(%dma_start3A_47 : memref<16x80xi32, #tpu.memory_space<vmem>>) target_semaphore(%arg12 : memref<!tpu.dma_semaphore, #tpu.memory_space<semaphore_mem>>)
      %add3A_51 = arith.constant 16 : i32
      %add3A_52 = arith.addi %select_n3A, %add3A_51 : i32
      %dma_start3A_53 = arith.constant 1 : i32
      %dma_start3A_54 = arith.constant 16 : i32
      %dma_start3A_55 = arith.constant 0 : i32
      %dma_start3A_56 = tpu.memref_slice %arg7[%dma_start3A_54, %dma_start3A_55] : memref<32x80xi32, #tpu.memory_space<vmem>> -> memref<16x80xi32, #tpu.memory_space<vmem>>
      %dma_start3A_57 = arith.constant 0 : i32
      %dma_start3A_58 = tpu.memref_slice %arg2[%dma_start3A_53, %add3A_52, %dma_start3A_57] : memref<2x4096x80xi32, #tpu.memory_space<hbm>> -> memref<1x16x80xi32, #tpu.memory_space<hbm>>
      %dma_start3A_59 = tpu.memref_squeeze %dma_start3A_58 : memref<1x16x80xi32, #tpu.memory_space<hbm>> -> memref<16x80xi32, #tpu.memory_space<hbm>>
      %dma_start3A_60 = arith.constant 16 : i32
      %dma_start3A_61 = arith.constant 0 : i32
      %dma_start3A_62 = tpu.memref_slice %arg7[%dma_start3A_60, %dma_start3A_61] : memref<32x80xi32, #tpu.memory_space<vmem>> -> memref<16x80xi32, #tpu.memory_space<vmem>>
      %dma_start3A_63 = arith.constant 0 : i32
      %dma_start3A_64 = tpu.memref_slice %arg2[%dma_start3A_53, %add3A_52, %dma_start3A_63] : memref<2x4096x80xi32, #tpu.memory_space<hbm>> -> memref<1x16x80xi32, #tpu.memory_space<hbm>>
      %dma_start3A_65 = tpu.memref_squeeze %dma_start3A_64 : memref<1x16x80xi32, #tpu.memory_space<hbm>> -> memref<16x80xi32, #tpu.memory_space<hbm>>
      tpu.enqueue_dma source(%dma_start3A_65 : memref<16x80xi32, #tpu.memory_space<hbm>>) target(%dma_start3A_62 : memref<16x80xi32, #tpu.memory_space<vmem>>) target_semaphore(%arg12 : memref<!tpu.dma_semaphore, #tpu.memory_space<semaphore_mem>>)
    } else {
    }
    %while3A = arith.constant 0 : i32
    %while3A_18 = arith.constant 0 : i32
    "tpu.trace_stop"() : () -> ()
    "tpu.trace_start"() <{level = 10 : i32, message = "edge_loop"}> : () -> ()
    %while3A_19 = arith.subi %select_n3A_14, %while3A : i32
    %while3A_20 = arith.addi %while3A, %while3A_19 : i32
    %while3A_21 = arith.constant 1 : i32
    %while3A_22 = arith.divsi %while3A_19, %while3A_21 : i32
    %while3A_23 = arith.muli %while3A_22, %while3A_21 : i32
    %while3A_24 = arith.addi %while3A, %while3A_23 : i32
    %while3A_25 = arith.constant 1 : i32
    %while3A_26 = scf.for %while3A_37 = %while3A to %while3A_24 step %while3A_25 iter_args(%while3A_38 = %while3A_18) -> (i32)  : i32 {
      %rem3A = arith.constant 2 : i32
      %rem3A_39 = arith.remsi %while3A_37, %rem3A : i32
      %mul3A_40 = arith.constant 16 : i32
      %mul3A_41 = arith.muli %rem3A_39, %mul3A_40 : i32
      %gt3A_42 = arith.constant 0 : i32
      %gt3A_43 = arith.cmpi sgt, %while3A_37, %gt3A_42 : i32
      %convert_element_type3A_44 = arith.extui %gt3A_43 : i1 to i32
      %cond3A_45 = arith.constant 0 : i32
      %cond3A_46 = arith.cmpi ne, %convert_element_type3A_44, %cond3A_45 : i32
      scf.if %cond3A_46 {
        %dma_wait3A_121 = arith.constant 0 : i32
        %dma_wait3A_122 = arith.constant 0 : i32
        %dma_wait3A_123 = arith.constant 0 : i32
        %dma_wait3A_124 = tpu.memref_slice %arg6[%dma_wait3A_122, %dma_wait3A_123] : memref<32x80xi32, #tpu.memory_space<vmem>> -> memref<16x80xi32, #tpu.memory_space<vmem>>
        %dma_wait3A_125 = arith.constant 0 : i32
        %dma_wait3A_126 = arith.constant 0 : i32
        %dma_wait3A_127 = tpu.memref_slice %arg2[%dma_wait3A_121, %dma_wait3A_125, %dma_wait3A_126] : memref<2x4096x80xi32, #tpu.memory_space<hbm>> -> memref<1x16x80xi32, #tpu.memory_space<hbm>>
        %dma_wait3A_128 = tpu.memref_squeeze %dma_wait3A_127 : memref<1x16x80xi32, #tpu.memory_space<hbm>> -> memref<16x80xi32, #tpu.memory_space<hbm>>
        %dma_wait3A_129 = arith.constant 0 : i32
        %dma_wait3A_130 = arith.constant 0 : i32
        %dma_wait3A_131 = tpu.memref_slice %arg6[%dma_wait3A_129, %dma_wait3A_130] : memref<32x80xi32, #tpu.memory_space<vmem>> -> memref<16x80xi32, #tpu.memory_space<vmem>>
        %dma_wait3A_132 = arith.constant 0 : i32
        %dma_wait3A_133 = arith.constant 0 : i32
        %dma_wait3A_134 = tpu.memref_slice %arg2[%dma_wait3A_121, %dma_wait3A_132, %dma_wait3A_133] : memref<2x4096x80xi32, #tpu.memory_space<hbm>> -> memref<1x16x80xi32, #tpu.memory_space<hbm>>
        %dma_wait3A_135 = tpu.memref_squeeze %dma_wait3A_134 : memref<1x16x80xi32, #tpu.memory_space<hbm>> -> memref<16x80xi32, #tpu.memory_space<hbm>>
        tpu.wait_dma2 semaphore(%arg12 : memref<!tpu.dma_semaphore, #tpu.memory_space<semaphore_mem>>) src(%dma_wait3A_135 : memref<16x80xi32, #tpu.memory_space<hbm>>) dst(%dma_wait3A_131 : memref<16x80xi32, #tpu.memory_space<vmem>>)
        %dma_wait3A_136 = arith.constant 1 : i32
        %dma_wait3A_137 = arith.constant 0 : i32
        %dma_wait3A_138 = arith.constant 0 : i32
        %dma_wait3A_139 = tpu.memref_slice %arg7[%dma_wait3A_137, %dma_wait3A_138] : memref<32x80xi32, #tpu.memory_space<vmem>> -> memref<16x80xi32, #tpu.memory_space<vmem>>
        %dma_wait3A_140 = arith.constant 0 : i32
        %dma_wait3A_141 = arith.constant 0 : i32
        %dma_wait3A_142 = tpu.memref_slice %arg2[%dma_wait3A_136, %dma_wait3A_140, %dma_wait3A_141] : memref<2x4096x80xi32, #tpu.memory_space<hbm>> -> memref<1x16x80xi32, #tpu.memory_space<hbm>>
        %dma_wait3A_143 = tpu.memref_squeeze %dma_wait3A_142 : memref<1x16x80xi32, #tpu.memory_space<hbm>> -> memref<16x80xi32, #tpu.memory_space<hbm>>
        %dma_wait3A_144 = arith.constant 0 : i32
        %dma_wait3A_145 = arith.constant 0 : i32
        %dma_wait3A_146 = tpu.memref_slice %arg7[%dma_wait3A_144, %dma_wait3A_145] : memref<32x80xi32, #tpu.memory_space<vmem>> -> memref<16x80xi32, #tpu.memory_space<vmem>>
        %dma_wait3A_147 = arith.constant 0 : i32
        %dma_wait3A_148 = arith.constant 0 : i32
        %dma_wait3A_149 = tpu.memref_slice %arg2[%dma_wait3A_136, %dma_wait3A_147, %dma_wait3A_148] : memref<2x4096x80xi32, #tpu.memory_space<hbm>> -> memref<1x16x80xi32, #tpu.memory_space<hbm>>
        %dma_wait3A_150 = tpu.memref_squeeze %dma_wait3A_149 : memref<1x16x80xi32, #tpu.memory_space<hbm>> -> memref<16x80xi32, #tpu.memory_space<hbm>>
        tpu.wait_dma2 semaphore(%arg12 : memref<!tpu.dma_semaphore, #tpu.memory_space<semaphore_mem>>) src(%dma_wait3A_150 : memref<16x80xi32, #tpu.memory_space<hbm>>) dst(%dma_wait3A_146 : memref<16x80xi32, #tpu.memory_space<vmem>>)
      } else {
      }
      %add3A_47 = arith.constant 0 : i32
      %add3A_48 = arith.addi %mul3A_41, %add3A_47 : i32
      %dma_start3A = arith.constant 0 : i32
      %dma_start3A_49 = arith.constant 0 : i32
      %dma_start3A_50 = arith.constant 0 : i32
      %dma_start3A_51 = arith.constant 0 : i32
      %dma_start3A_52 = tpu.memref_slice %arg8[%dma_start3A, %dma_start3A_50, %dma_start3A_51] : memref<4x80x128xf32, #tpu.memory_space<vmem>> -> memref<1x80x128xf32, #tpu.memory_space<vmem>>
      %dma_start3A_53 = tpu.memref_squeeze %dma_start3A_52 : memref<1x80x128xf32, #tpu.memory_space<vmem>> -> memref<80x128xf32, #tpu.memory_space<vmem>>
      %dma_start3A_54 = arith.constant 0 : i32
      %dma_start3A_55 = tpu.memref_slice %arg6[%add3A_48, %dma_start3A_54] : memref<32x80xi32, #tpu.memory_space<vmem>> -> memref<1x80xi32, #tpu.memory_space<vmem>>
      %dma_start3A_56 = tpu.memref_squeeze %dma_start3A_55 : memref<1x80xi32, #tpu.memory_space<vmem>> -> memref<80xi32, #tpu.memory_space<vmem>>
      %dma_start3A_57 = arith.constant 0 : i32
      %dma_start3A_58 = arith.constant 0 : i32
      %dma_start3A_59 = tpu.memref_slice %arg4[%dma_start3A_57, %dma_start3A_58] : memref<10000x128xf32, #tpu.memory_space<hbm>> -> memref<10000x128xf32, #tpu.memory_space<hbm>>
      %dma_start3A_60 = tpu.memref_slice %arg10[%dma_start3A_49] : memref<4x!tpu.dma_semaphore, #tpu.memory_space<semaphore_mem>> -> memref<1x!tpu.dma_semaphore, #tpu.memory_space<semaphore_mem>>
      %dma_start3A_61 = tpu.memref_squeeze %dma_start3A_60 : memref<1x!tpu.dma_semaphore, #tpu.memory_space<semaphore_mem>> -> memref<!tpu.dma_semaphore, #tpu.memory_space<semaphore_mem>>
      tpu.enqueue_indirect_dma source(%dma_start3A_59 : memref<10000x128xf32, #tpu.memory_space<hbm>>) target(%dma_start3A_53 : memref<80x128xf32, #tpu.memory_space<vmem>>) offsets(%dma_start3A_56 : memref<80xi32, #tpu.memory_space<vmem>>) semaphore(%dma_start3A_61 : memref<!tpu.dma_semaphore, #tpu.memory_space<semaphore_mem>>)
      %add3A_62 = arith.constant 1 : i32
      %add3A_63 = arith.addi %mul3A_41, %add3A_62 : i32
      %dma_start3A_64 = arith.constant 1 : i32
      %dma_start3A_65 = arith.constant 1 : i32
      %dma_start3A_66 = arith.constant 0 : i32
      %dma_start3A_67 = arith.constant 0 : i32
      %dma_start3A_68 = tpu.memref_slice %arg8[%dma_start3A_64, %dma_start3A_66, %dma_start3A_67] : memref<4x80x128xf32, #tpu.memory_space<vmem>> -> memref<1x80x128xf32, #tpu.memory_space<vmem>>
      %dma_start3A_69 = tpu.memref_squeeze %dma_start3A_68 : memref<1x80x128xf32, #tpu.memory_space<vmem>> -> memref<80x128xf32, #tpu.memory_space<vmem>>
      %dma_start3A_70 = arith.constant 0 : i32
      %dma_start3A_71 = tpu.memref_slice %arg6[%add3A_63, %dma_start3A_70] : memref<32x80xi32, #tpu.memory_space<vmem>> -> memref<1x80xi32, #tpu.memory_space<vmem>>
      %dma_start3A_72 = tpu.memref_squeeze %dma_start3A_71 : memref<1x80xi32, #tpu.memory_space<vmem>> -> memref<80xi32, #tpu.memory_space<vmem>>
      %dma_start3A_73 = arith.constant 0 : i32
      %dma_start3A_74 = arith.constant 0 : i32
      %dma_start3A_75 = tpu.memref_slice %arg4[%dma_start3A_73, %dma_start3A_74] : memref<10000x128xf32, #tpu.memory_space<hbm>> -> memref<10000x128xf32, #tpu.memory_space<hbm>>
      %dma_start3A_76 = tpu.memref_slice %arg10[%dma_start3A_65] : memref<4x!tpu.dma_semaphore, #tpu.memory_space<semaphore_mem>> -> memref<1x!tpu.dma_semaphore, #tpu.memory_space<semaphore_mem>>
      %dma_start3A_77 = tpu.memref_squeeze %dma_start3A_76 : memref<1x!tpu.dma_semaphore, #tpu.memory_space<semaphore_mem>> -> memref<!tpu.dma_semaphore, #tpu.memory_space<semaphore_mem>>
      tpu.enqueue_indirect_dma source(%dma_start3A_75 : memref<10000x128xf32, #tpu.memory_space<hbm>>) target(%dma_start3A_69 : memref<80x128xf32, #tpu.memory_space<vmem>>) offsets(%dma_start3A_72 : memref<80xi32, #tpu.memory_space<vmem>>) semaphore(%dma_start3A_77 : memref<!tpu.dma_semaphore, #tpu.memory_space<semaphore_mem>>)
      %add3A_78 = arith.constant 2 : i32
      %add3A_79 = arith.addi %mul3A_41, %add3A_78 : i32
      %dma_start3A_80 = arith.constant 2 : i32
      %dma_start3A_81 = arith.constant 2 : i32
      %dma_start3A_82 = arith.constant 0 : i32
      %dma_start3A_83 = arith.constant 0 : i32
      %dma_start3A_84 = tpu.memref_slice %arg8[%dma_start3A_80, %dma_start3A_82, %dma_start3A_83] : memref<4x80x128xf32, #tpu.memory_space<vmem>> -> memref<1x80x128xf32, #tpu.memory_space<vmem>>
      %dma_start3A_85 = tpu.memref_squeeze %dma_start3A_84 : memref<1x80x128xf32, #tpu.memory_space<vmem>> -> memref<80x128xf32, #tpu.memory_space<vmem>>
      %dma_start3A_86 = arith.constant 0 : i32
      %dma_start3A_87 = tpu.memref_slice %arg6[%add3A_79, %dma_start3A_86] : memref<32x80xi32, #tpu.memory_space<vmem>> -> memref<1x80xi32, #tpu.memory_space<vmem>>
      %dma_start3A_88 = tpu.memref_squeeze %dma_start3A_87 : memref<1x80xi32, #tpu.memory_space<vmem>> -> memref<80xi32, #tpu.memory_space<vmem>>
      %dma_start3A_89 = arith.constant 0 : i32
      %dma_start3A_90 = arith.constant 0 : i32
      %dma_start3A_91 = tpu.memref_slice %arg4[%dma_start3A_89, %dma_start3A_90] : memref<10000x128xf32, #tpu.memory_space<hbm>> -> memref<10000x128xf32, #tpu.memory_space<hbm>>
      %dma_start3A_92 = tpu.memref_slice %arg10[%dma_start3A_81] : memref<4x!tpu.dma_semaphore, #tpu.memory_space<semaphore_mem>> -> memref<1x!tpu.dma_semaphore, #tpu.memory_space<semaphore_mem>>
      %dma_start3A_93 = tpu.memref_squeeze %dma_start3A_92 : memref<1x!tpu.dma_semaphore, #tpu.memory_space<semaphore_mem>> -> memref<!tpu.dma_semaphore, #tpu.memory_space<semaphore_mem>>
      tpu.enqueue_indirect_dma source(%dma_start3A_91 : memref<10000x128xf32, #tpu.memory_space<hbm>>) target(%dma_start3A_85 : memref<80x128xf32, #tpu.memory_space<vmem>>) offsets(%dma_start3A_88 : memref<80xi32, #tpu.memory_space<vmem>>) semaphore(%dma_start3A_93 : memref<!tpu.dma_semaphore, #tpu.memory_space<semaphore_mem>>)
      %scan3A_94 = arith.constant 0 : i32
      %scan3A_95 = arith.constant 0 : i32
      %scan3A_96 = arith.constant 4 : i32
      %scan3A_97 = arith.addi %scan3A_95, %scan3A_96 : i32
      %scan3A_98 = arith.constant 1 : i32
      %scan3A_99 = scf.for %scan3A_121 = %scan3A_95 to %scan3A_97 step %scan3A_98 iter_args(%scan3A_122 = %scan3A_94) -> (i32)  : i32 {
        %mul3A_123 = arith.constant 4 : i32
        %mul3A_124 = arith.muli %scan3A_121, %mul3A_123 : i32
        %add3A_125 = arith.constant 0 : i32
        %add3A_126 = arith.addi %mul3A_124, %add3A_125 : i32
        %add3A_127 = arith.addi %mul3A_41, %add3A_126 : i32
        %dma_wait3A_128 = arith.constant 0 : i32
        %dma_wait3A_129 = arith.constant 0 : i32
        %dma_wait3A_130 = arith.constant 0 : i32
        %dma_wait3A_131 = arith.constant 0 : i32
        %dma_wait3A_132 = tpu.memref_slice %arg8[%dma_wait3A_128, %dma_wait3A_130, %dma_wait3A_131] : memref<4x80x128xf32, #tpu.memory_space<vmem>> -> memref<1x80x128xf32, #tpu.memory_space<vmem>>
        %dma_wait3A_133 = tpu.memref_squeeze %dma_wait3A_132 : memref<1x80x128xf32, #tpu.memory_space<vmem>> -> memref<80x128xf32, #tpu.memory_space<vmem>>
        %dma_wait3A_134 = arith.constant 0 : i32
        %dma_wait3A_135 = tpu.memref_slice %arg6[%add3A_127, %dma_wait3A_134] : memref<32x80xi32, #tpu.memory_space<vmem>> -> memref<1x80xi32, #tpu.memory_space<vmem>>
        %dma_wait3A_136 = tpu.memref_squeeze %dma_wait3A_135 : memref<1x80xi32, #tpu.memory_space<vmem>> -> memref<80xi32, #tpu.memory_space<vmem>>
        %dma_wait3A_137 = arith.constant 0 : i32
        %dma_wait3A_138 = arith.constant 0 : i32
        %dma_wait3A_139 = tpu.memref_slice %arg4[%dma_wait3A_137, %dma_wait3A_138] : memref<10000x128xf32, #tpu.memory_space<hbm>> -> memref<10000x128xf32, #tpu.memory_space<hbm>>
        %dma_wait3A_140 = tpu.memref_slice %arg10[%dma_wait3A_129] : memref<4x!tpu.dma_semaphore, #tpu.memory_space<semaphore_mem>> -> memref<1x!tpu.dma_semaphore, #tpu.memory_space<semaphore_mem>>
        %dma_wait3A_141 = tpu.memref_squeeze %dma_wait3A_140 : memref<1x!tpu.dma_semaphore, #tpu.memory_space<semaphore_mem>> -> memref<!tpu.dma_semaphore, #tpu.memory_space<semaphore_mem>>
        tpu.wait_indirect_dma semaphore(%dma_wait3A_141 : memref<!tpu.dma_semaphore, #tpu.memory_space<semaphore_mem>>) src(%dma_wait3A_139 : memref<10000x128xf32, #tpu.memory_space<hbm>>) dst(%dma_wait3A_133 : memref<80x128xf32, #tpu.memory_space<vmem>>)
        %dma_start3A_142 = arith.constant 0 : i32
        %dma_start3A_143 = arith.constant 0 : i32
        %dma_start3A_144 = arith.constant 0 : i32
        %dma_start3A_145 = arith.constant 0 : i32
        %dma_start3A_146 = tpu.memref_slice %arg8[%dma_start3A_142, %dma_start3A_144, %dma_start3A_145] : memref<4x80x128xf32, #tpu.memory_space<vmem>> -> memref<1x80x128xf32, #tpu.memory_space<vmem>>
        %dma_start3A_147 = tpu.memref_squeeze %dma_start3A_146 : memref<1x80x128xf32, #tpu.memory_space<vmem>> -> memref<80x128xf32, #tpu.memory_space<vmem>>
        %dma_start3A_148 = arith.constant 0 : i32
        %dma_start3A_149 = tpu.memref_slice %arg7[%add3A_127, %dma_start3A_148] : memref<32x80xi32, #tpu.memory_space<vmem>> -> memref<1x80xi32, #tpu.memory_space<vmem>>
        %dma_start3A_150 = tpu.memref_squeeze %dma_start3A_149 : memref<1x80xi32, #tpu.memory_space<vmem>> -> memref<80xi32, #tpu.memory_space<vmem>>
        %dma_start3A_151 = arith.constant 0 : i32
        %dma_start3A_152 = arith.constant 0 : i32
        %dma_start3A_153 = tpu.memref_slice %arg9[%dma_start3A_151, %dma_start3A_152] : memref<10240x128xf32, #tpu.memory_space<vmem_shared>> -> memref<10240x128xf32, #tpu.memory_space<vmem_shared>>
        %dma_start3A_154 = tpu.memref_slice %arg11[%dma_start3A_143] : memref<4x!tpu.dma_semaphore, #tpu.memory_space<semaphore_mem>> -> memref<1x!tpu.dma_semaphore, #tpu.memory_space<semaphore_mem>>
        %dma_start3A_155 = tpu.memref_squeeze %dma_start3A_154 : memref<1x!tpu.dma_semaphore, #tpu.memory_space<semaphore_mem>> -> memref<!tpu.dma_semaphore, #tpu.memory_space<semaphore_mem>>
        tpu.enqueue_indirect_dma source(%dma_start3A_147 : memref<80x128xf32, #tpu.memory_space<vmem>>) target(%dma_start3A_153 : memref<10240x128xf32, #tpu.memory_space<vmem_shared>>) offsets(%dma_start3A_150 : memref<80xi32, #tpu.memory_space<vmem>>) semaphore(%dma_start3A_155 : memref<!tpu.dma_semaphore, #tpu.memory_space<semaphore_mem>>) {add = true}
        %gt3A_156 = arith.constant 0 : i32
        %gt3A_157 = arith.cmpi sgt, %add3A_126, %gt3A_156 : i32
        %convert_element_type3A_158 = arith.extui %gt3A_157 : i1 to i32
        %cond3A_159 = arith.constant 0 : i32
        %cond3A_160 = arith.cmpi ne, %convert_element_type3A_158, %cond3A_159 : i32
        scf.if %cond3A_160 {
          %dma_wait3A_296 = arith.constant 3 : i32
          %dma_wait3A_297 = arith.constant 0 : i32
          %dma_wait3A_298 = arith.constant 3 : i32
          %dma_wait3A_299 = arith.constant 0 : i32
          %dma_wait3A_300 = arith.constant 0 : i32
          %dma_wait3A_301 = tpu.memref_slice %arg8[%dma_wait3A_296, %dma_wait3A_299, %dma_wait3A_300] : memref<4x80x128xf32, #tpu.memory_space<vmem>> -> memref<1x80x128xf32, #tpu.memory_space<vmem>>
          %dma_wait3A_302 = tpu.memref_squeeze %dma_wait3A_301 : memref<1x80x128xf32, #tpu.memory_space<vmem>> -> memref<80x128xf32, #tpu.memory_space<vmem>>
          %dma_wait3A_303 = arith.constant 0 : i32
          %dma_wait3A_304 = tpu.memref_slice %arg7[%dma_wait3A_297, %dma_wait3A_303] : memref<32x80xi32, #tpu.memory_space<vmem>> -> memref<1x80xi32, #tpu.memory_space<vmem>>
          %dma_wait3A_305 = tpu.memref_squeeze %dma_wait3A_304 : memref<1x80xi32, #tpu.memory_space<vmem>> -> memref<80xi32, #tpu.memory_space<vmem>>
          %dma_wait3A_306 = arith.constant 0 : i32
          %dma_wait3A_307 = arith.constant 0 : i32
          %dma_wait3A_308 = tpu.memref_slice %arg9[%dma_wait3A_306, %dma_wait3A_307] : memref<10240x128xf32, #tpu.memory_space<vmem_shared>> -> memref<10240x128xf32, #tpu.memory_space<vmem_shared>>
          %dma_wait3A_309 = tpu.memref_slice %arg11[%dma_wait3A_298] : memref<4x!tpu.dma_semaphore, #tpu.memory_space<semaphore_mem>> -> memref<1x!tpu.dma_semaphore, #tpu.memory_space<semaphore_mem>>
          %dma_wait3A_310 = tpu.memref_squeeze %dma_wait3A_309 : memref<1x!tpu.dma_semaphore, #tpu.memory_space<semaphore_mem>> -> memref<!tpu.dma_semaphore, #tpu.memory_space<semaphore_mem>>
          tpu.wait_indirect_dma semaphore(%dma_wait3A_310 : memref<!tpu.dma_semaphore, #tpu.memory_space<semaphore_mem>>) src(%dma_wait3A_302 : memref<80x128xf32, #tpu.memory_space<vmem>>) dst(%dma_wait3A_308 : memref<10240x128xf32, #tpu.memory_space<vmem_shared>>)
        } else {
        }
        %lt3A_161 = arith.constant 13 : i32
        %lt3A_162 = arith.cmpi slt, %add3A_126, %lt3A_161 : i32
        %convert_element_type3A_163 = arith.extui %lt3A_162 : i1 to i32
        %cond3A_164 = arith.constant 0 : i32
        %cond3A_165 = arith.cmpi ne, %convert_element_type3A_163, %cond3A_164 : i32
        scf.if %cond3A_165 {
          %add3A_296 = arith.constant 4 : i32
          %add3A_297 = arith.addi %add3A_127, %add3A_296 : i32
          %sub3A = arith.constant 1 : i32
          %sub3A_298 = arith.subi %add3A_297, %sub3A : i32
          %dma_start3A_299 = arith.constant 3 : i32
          %dma_start3A_300 = arith.constant 3 : i32
          %dma_start3A_301 = arith.constant 0 : i32
          %dma_start3A_302 = arith.constant 0 : i32
          %dma_start3A_303 = tpu.memref_slice %arg8[%dma_start3A_299, %dma_start3A_301, %dma_start3A_302] : memref<4x80x128xf32, #tpu.memory_space<vmem>> -> memref<1x80x128xf32, #tpu.memory_space<vmem>>
          %dma_start3A_304 = tpu.memref_squeeze %dma_start3A_303 : memref<1x80x128xf32, #tpu.memory_space<vmem>> -> memref<80x128xf32, #tpu.memory_space<vmem>>
          %dma_start3A_305 = arith.constant 0 : i32
          %dma_start3A_306 = tpu.memref_slice %arg6[%sub3A_298, %dma_start3A_305] : memref<32x80xi32, #tpu.memory_space<vmem>> -> memref<1x80xi32, #tpu.memory_space<vmem>>
          %dma_start3A_307 = tpu.memref_squeeze %dma_start3A_306 : memref<1x80xi32, #tpu.memory_space<vmem>> -> memref<80xi32, #tpu.memory_space<vmem>>
          %dma_start3A_308 = arith.constant 0 : i32
          %dma_start3A_309 = arith.constant 0 : i32
          %dma_start3A_310 = tpu.memref_slice %arg4[%dma_start3A_308, %dma_start3A_309] : memref<10000x128xf32, #tpu.memory_space<hbm>> -> memref<10000x128xf32, #tpu.memory_space<hbm>>
          %dma_start3A_311 = tpu.memref_slice %arg10[%dma_start3A_300] : memref<4x!tpu.dma_semaphore, #tpu.memory_space<semaphore_mem>> -> memref<1x!tpu.dma_semaphore, #tpu.memory_space<semaphore_mem>>
          %dma_start3A_312 = tpu.memref_squeeze %dma_start3A_311 : memref<1x!tpu.dma_semaphore, #tpu.memory_space<semaphore_mem>> -> memref<!tpu.dma_semaphore, #tpu.memory_space<semaphore_mem>>
          tpu.enqueue_indirect_dma source(%dma_start3A_310 : memref<10000x128xf32, #tpu.memory_space<hbm>>) target(%dma_start3A_304 : memref<80x128xf32, #tpu.memory_space<vmem>>) offsets(%dma_start3A_307 : memref<80xi32, #tpu.memory_space<vmem>>) semaphore(%dma_start3A_312 : memref<!tpu.dma_semaphore, #tpu.memory_space<semaphore_mem>>)
        } else {
        }
        %mul3A_166 = arith.constant 4 : i32
        %mul3A_167 = arith.muli %scan3A_121, %mul3A_166 : i32
        %add3A_168 = arith.constant 1 : i32
        %add3A_169 = arith.addi %mul3A_167, %add3A_168 : i32
        %add3A_170 = arith.addi %mul3A_41, %add3A_169 : i32
        %dma_wait3A_171 = arith.constant 1 : i32
        %dma_wait3A_172 = arith.constant 1 : i32
        %dma_wait3A_173 = arith.constant 0 : i32
        %dma_wait3A_174 = arith.constant 0 : i32
        %dma_wait3A_175 = tpu.memref_slice %arg8[%dma_wait3A_171, %dma_wait3A_173, %dma_wait3A_174] : memref<4x80x128xf32, #tpu.memory_space<vmem>> -> memref<1x80x128xf32, #tpu.memory_space<vmem>>
        %dma_wait3A_176 = tpu.memref_squeeze %dma_wait3A_175 : memref<1x80x128xf32, #tpu.memory_space<vmem>> -> memref<80x128xf32, #tpu.memory_space<vmem>>
        %dma_wait3A_177 = arith.constant 0 : i32
        %dma_wait3A_178 = tpu.memref_slice %arg6[%add3A_170, %dma_wait3A_177] : memref<32x80xi32, #tpu.memory_space<vmem>> -> memref<1x80xi32, #tpu.memory_space<vmem>>
        %dma_wait3A_179 = tpu.memref_squeeze %dma_wait3A_178 : memref<1x80xi32, #tpu.memory_space<vmem>> -> memref<80xi32, #tpu.memory_space<vmem>>
        %dma_wait3A_180 = arith.constant 0 : i32
        %dma_wait3A_181 = arith.constant 0 : i32
        %dma_wait3A_182 = tpu.memref_slice %arg4[%dma_wait3A_180, %dma_wait3A_181] : memref<10000x128xf32, #tpu.memory_space<hbm>> -> memref<10000x128xf32, #tpu.memory_space<hbm>>
        %dma_wait3A_183 = tpu.memref_slice %arg10[%dma_wait3A_172] : memref<4x!tpu.dma_semaphore, #tpu.memory_space<semaphore_mem>> -> memref<1x!tpu.dma_semaphore, #tpu.memory_space<semaphore_mem>>
        %dma_wait3A_184 = tpu.memref_squeeze %dma_wait3A_183 : memref<1x!tpu.dma_semaphore, #tpu.memory_space<semaphore_mem>> -> memref<!tpu.dma_semaphore, #tpu.memory_space<semaphore_mem>>
        tpu.wait_indirect_dma semaphore(%dma_wait3A_184 : memref<!tpu.dma_semaphore, #tpu.memory_space<semaphore_mem>>) src(%dma_wait3A_182 : memref<10000x128xf32, #tpu.memory_space<hbm>>) dst(%dma_wait3A_176 : memref<80x128xf32, #tpu.memory_space<vmem>>)
        %dma_start3A_185 = arith.constant 1 : i32
        %dma_start3A_186 = arith.constant 1 : i32
        %dma_start3A_187 = arith.constant 0 : i32
        %dma_start3A_188 = arith.constant 0 : i32
        %dma_start3A_189 = tpu.memref_slice %arg8[%dma_start3A_185, %dma_start3A_187, %dma_start3A_188] : memref<4x80x128xf32, #tpu.memory_space<vmem>> -> memref<1x80x128xf32, #tpu.memory_space<vmem>>
        %dma_start3A_190 = tpu.memref_squeeze %dma_start3A_189 : memref<1x80x128xf32, #tpu.memory_space<vmem>> -> memref<80x128xf32, #tpu.memory_space<vmem>>
        %dma_start3A_191 = arith.constant 0 : i32
        %dma_start3A_192 = tpu.memref_slice %arg7[%add3A_170, %dma_start3A_191] : memref<32x80xi32, #tpu.memory_space<vmem>> -> memref<1x80xi32, #tpu.memory_space<vmem>>
        %dma_start3A_193 = tpu.memref_squeeze %dma_start3A_192 : memref<1x80xi32, #tpu.memory_space<vmem>> -> memref<80xi32, #tpu.memory_space<vmem>>
        %dma_start3A_194 = arith.constant 0 : i32
        %dma_start3A_195 = arith.constant 0 : i32
        %dma_start3A_196 = tpu.memref_slice %arg9[%dma_start3A_194, %dma_start3A_195] : memref<10240x128xf32, #tpu.memory_space<vmem_shared>> -> memref<10240x128xf32, #tpu.memory_space<vmem_shared>>
        %dma_start3A_197 = tpu.memref_slice %arg11[%dma_start3A_186] : memref<4x!tpu.dma_semaphore, #tpu.memory_space<semaphore_mem>> -> memref<1x!tpu.dma_semaphore, #tpu.memory_space<semaphore_mem>>
        %dma_start3A_198 = tpu.memref_squeeze %dma_start3A_197 : memref<1x!tpu.dma_semaphore, #tpu.memory_space<semaphore_mem>> -> memref<!tpu.dma_semaphore, #tpu.memory_space<semaphore_mem>>
        tpu.enqueue_indirect_dma source(%dma_start3A_190 : memref<80x128xf32, #tpu.memory_space<vmem>>) target(%dma_start3A_196 : memref<10240x128xf32, #tpu.memory_space<vmem_shared>>) offsets(%dma_start3A_193 : memref<80xi32, #tpu.memory_space<vmem>>) semaphore(%dma_start3A_198 : memref<!tpu.dma_semaphore, #tpu.memory_space<semaphore_mem>>) {add = true}
        %gt3A_199 = arith.constant 0 : i32
        %gt3A_200 = arith.cmpi sgt, %add3A_169, %gt3A_199 : i32
        %convert_element_type3A_201 = arith.extui %gt3A_200 : i1 to i32
        %cond3A_202 = arith.constant 0 : i32
        %cond3A_203 = arith.cmpi ne, %convert_element_type3A_201, %cond3A_202 : i32
        scf.if %cond3A_203 {
          %dma_wait3A_296 = arith.constant 0 : i32
          %dma_wait3A_297 = arith.constant 0 : i32
          %dma_wait3A_298 = arith.constant 0 : i32
          %dma_wait3A_299 = arith.constant 0 : i32
          %dma_wait3A_300 = arith.constant 0 : i32
          %dma_wait3A_301 = tpu.memref_slice %arg8[%dma_wait3A_296, %dma_wait3A_299, %dma_wait3A_300] : memref<4x80x128xf32, #tpu.memory_space<vmem>> -> memref<1x80x128xf32, #tpu.memory_space<vmem>>
          %dma_wait3A_302 = tpu.memref_squeeze %dma_wait3A_301 : memref<1x80x128xf32, #tpu.memory_space<vmem>> -> memref<80x128xf32, #tpu.memory_space<vmem>>
          %dma_wait3A_303 = arith.constant 0 : i32
          %dma_wait3A_304 = tpu.memref_slice %arg7[%dma_wait3A_297, %dma_wait3A_303] : memref<32x80xi32, #tpu.memory_space<vmem>> -> memref<1x80xi32, #tpu.memory_space<vmem>>
          %dma_wait3A_305 = tpu.memref_squeeze %dma_wait3A_304 : memref<1x80xi32, #tpu.memory_space<vmem>> -> memref<80xi32, #tpu.memory_space<vmem>>
          %dma_wait3A_306 = arith.constant 0 : i32
          %dma_wait3A_307 = arith.constant 0 : i32
          %dma_wait3A_308 = tpu.memref_slice %arg9[%dma_wait3A_306, %dma_wait3A_307] : memref<10240x128xf32, #tpu.memory_space<vmem_shared>> -> memref<10240x128xf32, #tpu.memory_space<vmem_shared>>
          %dma_wait3A_309 = tpu.memref_slice %arg11[%dma_wait3A_298] : memref<4x!tpu.dma_semaphore, #tpu.memory_space<semaphore_mem>> -> memref<1x!tpu.dma_semaphore, #tpu.memory_space<semaphore_mem>>
          %dma_wait3A_310 = tpu.memref_squeeze %dma_wait3A_309 : memref<1x!tpu.dma_semaphore, #tpu.memory_space<semaphore_mem>> -> memref<!tpu.dma_semaphore, #tpu.memory_space<semaphore_mem>>
          tpu.wait_indirect_dma semaphore(%dma_wait3A_310 : memref<!tpu.dma_semaphore, #tpu.memory_space<semaphore_mem>>) src(%dma_wait3A_302 : memref<80x128xf32, #tpu.memory_space<vmem>>) dst(%dma_wait3A_308 : memref<10240x128xf32, #tpu.memory_space<vmem_shared>>)
        } else {
        }
        %lt3A_204 = arith.constant 13 : i32
        %lt3A_205 = arith.cmpi slt, %add3A_169, %lt3A_204 : i32
        %convert_element_type3A_206 = arith.extui %lt3A_205 : i1 to i32
        %cond3A_207 = arith.constant 0 : i32
        %cond3A_208 = arith.cmpi ne, %convert_element_type3A_206, %cond3A_207 : i32
        scf.if %cond3A_208 {
          %add3A_296 = arith.constant 4 : i32
          %add3A_297 = arith.addi %add3A_170, %add3A_296 : i32
          %sub3A = arith.constant 1 : i32
          %sub3A_298 = arith.subi %add3A_297, %sub3A : i32
          %dma_start3A_299 = arith.constant 0 : i32
          %dma_start3A_300 = arith.constant 0 : i32
          %dma_start3A_301 = arith.constant 0 : i32
          %dma_start3A_302 = arith.constant 0 : i32
          %dma_start3A_303 = tpu.memref_slice %arg8[%dma_start3A_299, %dma_start3A_301, %dma_start3A_302] : memref<4x80x128xf32, #tpu.memory_space<vmem>> -> memref<1x80x128xf32, #tpu.memory_space<vmem>>
          %dma_start3A_304 = tpu.memref_squeeze %dma_start3A_303 : memref<1x80x128xf32, #tpu.memory_space<vmem>> -> memref<80x128xf32, #tpu.memory_space<vmem>>
          %dma_start3A_305 = arith.constant 0 : i32
          %dma_start3A_306 = tpu.memref_slice %arg6[%sub3A_298, %dma_start3A_305] : memref<32x80xi32, #tpu.memory_space<vmem>> -> memref<1x80xi32, #tpu.memory_space<vmem>>
          %dma_start3A_307 = tpu.memref_squeeze %dma_start3A_306 : memref<1x80xi32, #tpu.memory_space<vmem>> -> memref<80xi32, #tpu.memory_space<vmem>>
          %dma_start3A_308 = arith.constant 0 : i32
          %dma_start3A_309 = arith.constant 0 : i32
          %dma_start3A_310 = tpu.memref_slice %arg4[%dma_start3A_308, %dma_start3A_309] : memref<10000x128xf32, #tpu.memory_space<hbm>> -> memref<10000x128xf32, #tpu.memory_space<hbm>>
          %dma_start3A_311 = tpu.memref_slice %arg10[%dma_start3A_300] : memref<4x!tpu.dma_semaphore, #tpu.memory_space<semaphore_mem>> -> memref<1x!tpu.dma_semaphore, #tpu.memory_space<semaphore_mem>>
          %dma_start3A_312 = tpu.memref_squeeze %dma_start3A_311 : memref<1x!tpu.dma_semaphore, #tpu.memory_space<semaphore_mem>> -> memref<!tpu.dma_semaphore, #tpu.memory_space<semaphore_mem>>
          tpu.enqueue_indirect_dma source(%dma_start3A_310 : memref<10000x128xf32, #tpu.memory_space<hbm>>) target(%dma_start3A_304 : memref<80x128xf32, #tpu.memory_space<vmem>>) offsets(%dma_start3A_307 : memref<80xi32, #tpu.memory_space<vmem>>) semaphore(%dma_start3A_312 : memref<!tpu.dma_semaphore, #tpu.memory_space<semaphore_mem>>)
        } else {
        }
        %mul3A_209 = arith.constant 4 : i32
        %mul3A_210 = arith.muli %scan3A_121, %mul3A_209 : i32
        %add3A_211 = arith.constant 2 : i32
        %add3A_212 = arith.addi %mul3A_210, %add3A_211 : i32
        %add3A_213 = arith.addi %mul3A_41, %add3A_212 : i32
        %dma_wait3A_214 = arith.constant 2 : i32
        %dma_wait3A_215 = arith.constant 2 : i32
        %dma_wait3A_216 = arith.constant 0 : i32
        %dma_wait3A_217 = arith.constant 0 : i32
        %dma_wait3A_218 = tpu.memref_slice %arg8[%dma_wait3A_214, %dma_wait3A_216, %dma_wait3A_217] : memref<4x80x128xf32, #tpu.memory_space<vmem>> -> memref<1x80x128xf32, #tpu.memory_space<vmem>>
        %dma_wait3A_219 = tpu.memref_squeeze %dma_wait3A_218 : memref<1x80x128xf32, #tpu.memory_space<vmem>> -> memref<80x128xf32, #tpu.memory_space<vmem>>
        %dma_wait3A_220 = arith.constant 0 : i32
        %dma_wait3A_221 = tpu.memref_slice %arg6[%add3A_213, %dma_wait3A_220] : memref<32x80xi32, #tpu.memory_space<vmem>> -> memref<1x80xi32, #tpu.memory_space<vmem>>
        %dma_wait3A_222 = tpu.memref_squeeze %dma_wait3A_221 : memref<1x80xi32, #tpu.memory_space<vmem>> -> memref<80xi32, #tpu.memory_space<vmem>>
        %dma_wait3A_223 = arith.constant 0 : i32
        %dma_wait3A_224 = arith.constant 0 : i32
        %dma_wait3A_225 = tpu.memref_slice %arg4[%dma_wait3A_223, %dma_wait3A_224] : memref<10000x128xf32, #tpu.memory_space<hbm>> -> memref<10000x128xf32, #tpu.memory_space<hbm>>
        %dma_wait3A_226 = tpu.memref_slice %arg10[%dma_wait3A_215] : memref<4x!tpu.dma_semaphore, #tpu.memory_space<semaphore_mem>> -> memref<1x!tpu.dma_semaphore, #tpu.memory_space<semaphore_mem>>
        %dma_wait3A_227 = tpu.memref_squeeze %dma_wait3A_226 : memref<1x!tpu.dma_semaphore, #tpu.memory_space<semaphore_mem>> -> memref<!tpu.dma_semaphore, #tpu.memory_space<semaphore_mem>>
        tpu.wait_indirect_dma semaphore(%dma_wait3A_227 : memref<!tpu.dma_semaphore, #tpu.memory_space<semaphore_mem>>) src(%dma_wait3A_225 : memref<10000x128xf32, #tpu.memory_space<hbm>>) dst(%dma_wait3A_219 : memref<80x128xf32, #tpu.memory_space<vmem>>)
        %dma_start3A_228 = arith.constant 2 : i32
        %dma_start3A_229 = arith.constant 2 : i32
        %dma_start3A_230 = arith.constant 0 : i32
        %dma_start3A_231 = arith.constant 0 : i32
        %dma_start3A_232 = tpu.memref_slice %arg8[%dma_start3A_228, %dma_start3A_230, %dma_start3A_231] : memref<4x80x128xf32, #tpu.memory_space<vmem>> -> memref<1x80x128xf32, #tpu.memory_space<vmem>>
        %dma_start3A_233 = tpu.memref_squeeze %dma_start3A_232 : memref<1x80x128xf32, #tpu.memory_space<vmem>> -> memref<80x128xf32, #tpu.memory_space<vmem>>
        %dma_start3A_234 = arith.constant 0 : i32
        %dma_start3A_235 = tpu.memref_slice %arg7[%add3A_213, %dma_start3A_234] : memref<32x80xi32, #tpu.memory_space<vmem>> -> memref<1x80xi32, #tpu.memory_space<vmem>>
        %dma_start3A_236 = tpu.memref_squeeze %dma_start3A_235 : memref<1x80xi32, #tpu.memory_space<vmem>> -> memref<80xi32, #tpu.memory_space<vmem>>
        %dma_start3A_237 = arith.constant 0 : i32
        %dma_start3A_238 = arith.constant 0 : i32
        %dma_start3A_239 = tpu.memref_slice %arg9[%dma_start3A_237, %dma_start3A_238] : memref<10240x128xf32, #tpu.memory_space<vmem_shared>> -> memref<10240x128xf32, #tpu.memory_space<vmem_shared>>
        %dma_start3A_240 = tpu.memref_slice %arg11[%dma_start3A_229] : memref<4x!tpu.dma_semaphore, #tpu.memory_space<semaphore_mem>> -> memref<1x!tpu.dma_semaphore, #tpu.memory_space<semaphore_mem>>
        %dma_start3A_241 = tpu.memref_squeeze %dma_start3A_240 : memref<1x!tpu.dma_semaphore, #tpu.memory_space<semaphore_mem>> -> memref<!tpu.dma_semaphore, #tpu.memory_space<semaphore_mem>>
        tpu.enqueue_indirect_dma source(%dma_start3A_233 : memref<80x128xf32, #tpu.memory_space<vmem>>) target(%dma_start3A_239 : memref<10240x128xf32, #tpu.memory_space<vmem_shared>>) offsets(%dma_start3A_236 : memref<80xi32, #tpu.memory_space<vmem>>) semaphore(%dma_start3A_241 : memref<!tpu.dma_semaphore, #tpu.memory_space<semaphore_mem>>) {add = true}
        %gt3A_242 = arith.constant 0 : i32
        %gt3A_243 = arith.cmpi sgt, %add3A_212, %gt3A_242 : i32
        %convert_element_type3A_244 = arith.extui %gt3A_243 : i1 to i32
        %cond3A_245 = arith.constant 0 : i32
        %cond3A_246 = arith.cmpi ne, %convert_element_type3A_244, %cond3A_245 : i32
        scf.if %cond3A_246 {
          %dma_wait3A_296 = arith.constant 1 : i32
          %dma_wait3A_297 = arith.constant 0 : i32
          %dma_wait3A_298 = arith.constant 1 : i32
          %dma_wait3A_299 = arith.constant 0 : i32
          %dma_wait3A_300 = arith.constant 0 : i32
          %dma_wait3A_301 = tpu.memref_slice %arg8[%dma_wait3A_296, %dma_wait3A_299, %dma_wait3A_300] : memref<4x80x128xf32, #tpu.memory_space<vmem>> -> memref<1x80x128xf32, #tpu.memory_space<vmem>>
          %dma_wait3A_302 = tpu.memref_squeeze %dma_wait3A_301 : memref<1x80x128xf32, #tpu.memory_space<vmem>> -> memref<80x128xf32, #tpu.memory_space<vmem>>
          %dma_wait3A_303 = arith.constant 0 : i32
          %dma_wait3A_304 = tpu.memref_slice %arg7[%dma_wait3A_297, %dma_wait3A_303] : memref<32x80xi32, #tpu.memory_space<vmem>> -> memref<1x80xi32, #tpu.memory_space<vmem>>
          %dma_wait3A_305 = tpu.memref_squeeze %dma_wait3A_304 : memref<1x80xi32, #tpu.memory_space<vmem>> -> memref<80xi32, #tpu.memory_space<vmem>>
          %dma_wait3A_306 = arith.constant 0 : i32
          %dma_wait3A_307 = arith.constant 0 : i32
          %dma_wait3A_308 = tpu.memref_slice %arg9[%dma_wait3A_306, %dma_wait3A_307] : memref<10240x128xf32, #tpu.memory_space<vmem_shared>> -> memref<10240x128xf32, #tpu.memory_space<vmem_shared>>
          %dma_wait3A_309 = tpu.memref_slice %arg11[%dma_wait3A_298] : memref<4x!tpu.dma_semaphore, #tpu.memory_space<semaphore_mem>> -> memref<1x!tpu.dma_semaphore, #tpu.memory_space<semaphore_mem>>
          %dma_wait3A_310 = tpu.memref_squeeze %dma_wait3A_309 : memref<1x!tpu.dma_semaphore, #tpu.memory_space<semaphore_mem>> -> memref<!tpu.dma_semaphore, #tpu.memory_space<semaphore_mem>>
          tpu.wait_indirect_dma semaphore(%dma_wait3A_310 : memref<!tpu.dma_semaphore, #tpu.memory_space<semaphore_mem>>) src(%dma_wait3A_302 : memref<80x128xf32, #tpu.memory_space<vmem>>) dst(%dma_wait3A_308 : memref<10240x128xf32, #tpu.memory_space<vmem_shared>>)
        } else {
        }
        %lt3A_247 = arith.constant 13 : i32
        %lt3A_248 = arith.cmpi slt, %add3A_212, %lt3A_247 : i32
        %convert_element_type3A_249 = arith.extui %lt3A_248 : i1 to i32
        %cond3A_250 = arith.constant 0 : i32
        %cond3A_251 = arith.cmpi ne, %convert_element_type3A_249, %cond3A_250 : i32
        scf.if %cond3A_251 {
          %add3A_296 = arith.constant 4 : i32
          %add3A_297 = arith.addi %add3A_213, %add3A_296 : i32
          %sub3A = arith.constant 1 : i32
          %sub3A_298 = arith.subi %add3A_297, %sub3A : i32
          %dma_start3A_299 = arith.constant 1 : i32
          %dma_start3A_300 = arith.constant 1 : i32
          %dma_start3A_301 = arith.constant 0 : i32
          %dma_start3A_302 = arith.constant 0 : i32
          %dma_start3A_303 = tpu.memref_slice %arg8[%dma_start3A_299, %dma_start3A_301, %dma_start3A_302] : memref<4x80x128xf32, #tpu.memory_space<vmem>> -> memref<1x80x128xf32, #tpu.memory_space<vmem>>
          %dma_start3A_304 = tpu.memref_squeeze %dma_start3A_303 : memref<1x80x128xf32, #tpu.memory_space<vmem>> -> memref<80x128xf32, #tpu.memory_space<vmem>>
          %dma_start3A_305 = arith.constant 0 : i32
          %dma_start3A_306 = tpu.memref_slice %arg6[%sub3A_298, %dma_start3A_305] : memref<32x80xi32, #tpu.memory_space<vmem>> -> memref<1x80xi32, #tpu.memory_space<vmem>>
          %dma_start3A_307 = tpu.memref_squeeze %dma_start3A_306 : memref<1x80xi32, #tpu.memory_space<vmem>> -> memref<80xi32, #tpu.memory_space<vmem>>
          %dma_start3A_308 = arith.constant 0 : i32
          %dma_start3A_309 = arith.constant 0 : i32
          %dma_start3A_310 = tpu.memref_slice %arg4[%dma_start3A_308, %dma_start3A_309] : memref<10000x128xf32, #tpu.memory_space<hbm>> -> memref<10000x128xf32, #tpu.memory_space<hbm>>
          %dma_start3A_311 = tpu.memref_slice %arg10[%dma_start3A_300] : memref<4x!tpu.dma_semaphore, #tpu.memory_space<semaphore_mem>> -> memref<1x!tpu.dma_semaphore, #tpu.memory_space<semaphore_mem>>
          %dma_start3A_312 = tpu.memref_squeeze %dma_start3A_311 : memref<1x!tpu.dma_semaphore, #tpu.memory_space<semaphore_mem>> -> memref<!tpu.dma_semaphore, #tpu.memory_space<semaphore_mem>>
          tpu.enqueue_indirect_dma source(%dma_start3A_310 : memref<10000x128xf32, #tpu.memory_space<hbm>>) target(%dma_start3A_304 : memref<80x128xf32, #tpu.memory_space<vmem>>) offsets(%dma_start3A_307 : memref<80xi32, #tpu.memory_space<vmem>>) semaphore(%dma_start3A_312 : memref<!tpu.dma_semaphore, #tpu.memory_space<semaphore_mem>>)
        } else {
        }
        %mul3A_252 = arith.constant 4 : i32
        %mul3A_253 = arith.muli %scan3A_121, %mul3A_252 : i32
        %add3A_254 = arith.constant 3 : i32
        %add3A_255 = arith.addi %mul3A_253, %add3A_254 : i32
        %add3A_256 = arith.addi %mul3A_41, %add3A_255 : i32
        %dma_wait3A_257 = arith.constant 3 : i32
        %dma_wait3A_258 = arith.constant 3 : i32
        %dma_wait3A_259 = arith.constant 0 : i32
        %dma_wait3A_260 = arith.constant 0 : i32
        %dma_wait3A_261 = tpu.memref_slice %arg8[%dma_wait3A_257, %dma_wait3A_259, %dma_wait3A_260] : memref<4x80x128xf32, #tpu.memory_space<vmem>> -> memref<1x80x128xf32, #tpu.memory_space<vmem>>
        %dma_wait3A_262 = tpu.memref_squeeze %dma_wait3A_261 : memref<1x80x128xf32, #tpu.memory_space<vmem>> -> memref<80x128xf32, #tpu.memory_space<vmem>>
        %dma_wait3A_263 = arith.constant 0 : i32
        %dma_wait3A_264 = tpu.memref_slice %arg6[%add3A_256, %dma_wait3A_263] : memref<32x80xi32, #tpu.memory_space<vmem>> -> memref<1x80xi32, #tpu.memory_space<vmem>>
        %dma_wait3A_265 = tpu.memref_squeeze %dma_wait3A_264 : memref<1x80xi32, #tpu.memory_space<vmem>> -> memref<80xi32, #tpu.memory_space<vmem>>
        %dma_wait3A_266 = arith.constant 0 : i32
        %dma_wait3A_267 = arith.constant 0 : i32
        %dma_wait3A_268 = tpu.memref_slice %arg4[%dma_wait3A_266, %dma_wait3A_267] : memref<10000x128xf32, #tpu.memory_space<hbm>> -> memref<10000x128xf32, #tpu.memory_space<hbm>>
        %dma_wait3A_269 = tpu.memref_slice %arg10[%dma_wait3A_258] : memref<4x!tpu.dma_semaphore, #tpu.memory_space<semaphore_mem>> -> memref<1x!tpu.dma_semaphore, #tpu.memory_space<semaphore_mem>>
        %dma_wait3A_270 = tpu.memref_squeeze %dma_wait3A_269 : memref<1x!tpu.dma_semaphore, #tpu.memory_space<semaphore_mem>> -> memref<!tpu.dma_semaphore, #tpu.memory_space<semaphore_mem>>
        tpu.wait_indirect_dma semaphore(%dma_wait3A_270 : memref<!tpu.dma_semaphore, #tpu.memory_space<semaphore_mem>>) src(%dma_wait3A_268 : memref<10000x128xf32, #tpu.memory_space<hbm>>) dst(%dma_wait3A_262 : memref<80x128xf32, #tpu.memory_space<vmem>>)
        %dma_start3A_271 = arith.constant 3 : i32
        %dma_start3A_272 = arith.constant 3 : i32
        %dma_start3A_273 = arith.constant 0 : i32
        %dma_start3A_274 = arith.constant 0 : i32
        %dma_start3A_275 = tpu.memref_slice %arg8[%dma_start3A_271, %dma_start3A_273, %dma_start3A_274] : memref<4x80x128xf32, #tpu.memory_space<vmem>> -> memref<1x80x128xf32, #tpu.memory_space<vmem>>
        %dma_start3A_276 = tpu.memref_squeeze %dma_start3A_275 : memref<1x80x128xf32, #tpu.memory_space<vmem>> -> memref<80x128xf32, #tpu.memory_space<vmem>>
        %dma_start3A_277 = arith.constant 0 : i32
        %dma_start3A_278 = tpu.memref_slice %arg7[%add3A_256, %dma_start3A_277] : memref<32x80xi32, #tpu.memory_space<vmem>> -> memref<1x80xi32, #tpu.memory_space<vmem>>
        %dma_start3A_279 = tpu.memref_squeeze %dma_start3A_278 : memref<1x80xi32, #tpu.memory_space<vmem>> -> memref<80xi32, #tpu.memory_space<vmem>>
        %dma_start3A_280 = arith.constant 0 : i32
        %dma_start3A_281 = arith.constant 0 : i32
        %dma_start3A_282 = tpu.memref_slice %arg9[%dma_start3A_280, %dma_start3A_281] : memref<10240x128xf32, #tpu.memory_space<vmem_shared>> -> memref<10240x128xf32, #tpu.memory_space<vmem_shared>>
        %dma_start3A_283 = tpu.memref_slice %arg11[%dma_start3A_272] : memref<4x!tpu.dma_semaphore, #tpu.memory_space<semaphore_mem>> -> memref<1x!tpu.dma_semaphore, #tpu.memory_space<semaphore_mem>>
        %dma_start3A_284 = tpu.memref_squeeze %dma_start3A_283 : memref<1x!tpu.dma_semaphore, #tpu.memory_space<semaphore_mem>> -> memref<!tpu.dma_semaphore, #tpu.memory_space<semaphore_mem>>
        tpu.enqueue_indirect_dma source(%dma_start3A_276 : memref<80x128xf32, #tpu.memory_space<vmem>>) target(%dma_start3A_282 : memref<10240x128xf32, #tpu.memory_space<vmem_shared>>) offsets(%dma_start3A_279 : memref<80xi32, #tpu.memory_space<vmem>>) semaphore(%dma_start3A_284 : memref<!tpu.dma_semaphore, #tpu.memory_space<semaphore_mem>>) {add = true}
        %gt3A_285 = arith.constant 0 : i32
        %gt3A_286 = arith.cmpi sgt, %add3A_255, %gt3A_285 : i32
        %convert_element_type3A_287 = arith.extui %gt3A_286 : i1 to i32
        %cond3A_288 = arith.constant 0 : i32
        %cond3A_289 = arith.cmpi ne, %convert_element_type3A_287, %cond3A_288 : i32
        scf.if %cond3A_289 {
          %dma_wait3A_296 = arith.constant 2 : i32
          %dma_wait3A_297 = arith.constant 0 : i32
          %dma_wait3A_298 = arith.constant 2 : i32
          %dma_wait3A_299 = arith.constant 0 : i32
          %dma_wait3A_300 = arith.constant 0 : i32
          %dma_wait3A_301 = tpu.memref_slice %arg8[%dma_wait3A_296, %dma_wait3A_299, %dma_wait3A_300] : memref<4x80x128xf32, #tpu.memory_space<vmem>> -> memref<1x80x128xf32, #tpu.memory_space<vmem>>
          %dma_wait3A_302 = tpu.memref_squeeze %dma_wait3A_301 : memref<1x80x128xf32, #tpu.memory_space<vmem>> -> memref<80x128xf32, #tpu.memory_space<vmem>>
          %dma_wait3A_303 = arith.constant 0 : i32
          %dma_wait3A_304 = tpu.memref_slice %arg7[%dma_wait3A_297, %dma_wait3A_303] : memref<32x80xi32, #tpu.memory_space<vmem>> -> memref<1x80xi32, #tpu.memory_space<vmem>>
          %dma_wait3A_305 = tpu.memref_squeeze %dma_wait3A_304 : memref<1x80xi32, #tpu.memory_space<vmem>> -> memref<80xi32, #tpu.memory_space<vmem>>
          %dma_wait3A_306 = arith.constant 0 : i32
          %dma_wait3A_307 = arith.constant 0 : i32
          %dma_wait3A_308 = tpu.memref_slice %arg9[%dma_wait3A_306, %dma_wait3A_307] : memref<10240x128xf32, #tpu.memory_space<vmem_shared>> -> memref<10240x128xf32, #tpu.memory_space<vmem_shared>>
          %dma_wait3A_309 = tpu.memref_slice %arg11[%dma_wait3A_298] : memref<4x!tpu.dma_semaphore, #tpu.memory_space<semaphore_mem>> -> memref<1x!tpu.dma_semaphore, #tpu.memory_space<semaphore_mem>>
          %dma_wait3A_310 = tpu.memref_squeeze %dma_wait3A_309 : memref<1x!tpu.dma_semaphore, #tpu.memory_space<semaphore_mem>> -> memref<!tpu.dma_semaphore, #tpu.memory_space<semaphore_mem>>
          tpu.wait_indirect_dma semaphore(%dma_wait3A_310 : memref<!tpu.dma_semaphore, #tpu.memory_space<semaphore_mem>>) src(%dma_wait3A_302 : memref<80x128xf32, #tpu.memory_space<vmem>>) dst(%dma_wait3A_308 : memref<10240x128xf32, #tpu.memory_space<vmem_shared>>)
        } else {
        }
        %lt3A_290 = arith.constant 13 : i32
        %lt3A_291 = arith.cmpi slt, %add3A_255, %lt3A_290 : i32
        %convert_element_type3A_292 = arith.extui %lt3A_291 : i1 to i32
        %cond3A_293 = arith.constant 0 : i32
        %cond3A_294 = arith.cmpi ne, %convert_element_type3A_292, %cond3A_293 : i32
        scf.if %cond3A_294 {
          %add3A_296 = arith.constant 4 : i32
          %add3A_297 = arith.addi %add3A_256, %add3A_296 : i32
          %sub3A = arith.constant 1 : i32
          %sub3A_298 = arith.subi %add3A_297, %sub3A : i32
          %dma_start3A_299 = arith.constant 2 : i32
          %dma_start3A_300 = arith.constant 2 : i32
          %dma_start3A_301 = arith.constant 0 : i32
          %dma_start3A_302 = arith.constant 0 : i32
          %dma_start3A_303 = tpu.memref_slice %arg8[%dma_start3A_299, %dma_start3A_301, %dma_start3A_302] : memref<4x80x128xf32, #tpu.memory_space<vmem>> -> memref<1x80x128xf32, #tpu.memory_space<vmem>>
          %dma_start3A_304 = tpu.memref_squeeze %dma_start3A_303 : memref<1x80x128xf32, #tpu.memory_space<vmem>> -> memref<80x128xf32, #tpu.memory_space<vmem>>
          %dma_start3A_305 = arith.constant 0 : i32
          %dma_start3A_306 = tpu.memref_slice %arg6[%sub3A_298, %dma_start3A_305] : memref<32x80xi32, #tpu.memory_space<vmem>> -> memref<1x80xi32, #tpu.memory_space<vmem>>
          %dma_start3A_307 = tpu.memref_squeeze %dma_start3A_306 : memref<1x80xi32, #tpu.memory_space<vmem>> -> memref<80xi32, #tpu.memory_space<vmem>>
          %dma_start3A_308 = arith.constant 0 : i32
          %dma_start3A_309 = arith.constant 0 : i32
          %dma_start3A_310 = tpu.memref_slice %arg4[%dma_start3A_308, %dma_start3A_309] : memref<10000x128xf32, #tpu.memory_space<hbm>> -> memref<10000x128xf32, #tpu.memory_space<hbm>>
          %dma_start3A_311 = tpu.memref_slice %arg10[%dma_start3A_300] : memref<4x!tpu.dma_semaphore, #tpu.memory_space<semaphore_mem>> -> memref<1x!tpu.dma_semaphore, #tpu.memory_space<semaphore_mem>>
          %dma_start3A_312 = tpu.memref_squeeze %dma_start3A_311 : memref<1x!tpu.dma_semaphore, #tpu.memory_space<semaphore_mem>> -> memref<!tpu.dma_semaphore, #tpu.memory_space<semaphore_mem>>
          tpu.enqueue_indirect_dma source(%dma_start3A_310 : memref<10000x128xf32, #tpu.memory_space<hbm>>) target(%dma_start3A_304 : memref<80x128xf32, #tpu.memory_space<vmem>>) offsets(%dma_start3A_307 : memref<80xi32, #tpu.memory_space<vmem>>) semaphore(%dma_start3A_312 : memref<!tpu.dma_semaphore, #tpu.memory_space<semaphore_mem>>)
        } else {
        }
        %scan3A_295 = arith.constant 0 : i32
        scf.yield %scan3A_295 : i32
      }
      %scan3A_100 = arith.constant 4 : i32
      %dma_wait3A = arith.constant 3 : i32
      %dma_wait3A_101 = arith.constant 0 : i32
      %dma_wait3A_102 = arith.constant 3 : i32
      %dma_wait3A_103 = arith.constant 0 : i32
      %dma_wait3A_104 = arith.constant 0 : i32
      %dma_wait3A_105 = tpu.memref_slice %arg8[%dma_wait3A, %dma_wait3A_103, %dma_wait3A_104] : memref<4x80x128xf32, #tpu.memory_space<vmem>> -> memref<1x80x128xf32, #tpu.memory_space<vmem>>
      %dma_wait3A_106 = tpu.memref_squeeze %dma_wait3A_105 : memref<1x80x128xf32, #tpu.memory_space<vmem>> -> memref<80x128xf32, #tpu.memory_space<vmem>>
      %dma_wait3A_107 = arith.constant 0 : i32
      %dma_wait3A_108 = tpu.memref_slice %arg7[%dma_wait3A_101, %dma_wait3A_107] : memref<32x80xi32, #tpu.memory_space<vmem>> -> memref<1x80xi32, #tpu.memory_space<vmem>>
      %dma_wait3A_109 = tpu.memref_squeeze %dma_wait3A_108 : memref<1x80xi32, #tpu.memory_space<vmem>> -> memref<80xi32, #tpu.memory_space<vmem>>
      %dma_wait3A_110 = arith.constant 0 : i32
      %dma_wait3A_111 = arith.constant 0 : i32
      %dma_wait3A_112 = tpu.memref_slice %arg9[%dma_wait3A_110, %dma_wait3A_111] : memref<10240x128xf32, #tpu.memory_space<vmem_shared>> -> memref<10240x128xf32, #tpu.memory_space<vmem_shared>>
      %dma_wait3A_113 = tpu.memref_slice %arg11[%dma_wait3A_102] : memref<4x!tpu.dma_semaphore, #tpu.memory_space<semaphore_mem>> -> memref<1x!tpu.dma_semaphore, #tpu.memory_space<semaphore_mem>>
      %dma_wait3A_114 = tpu.memref_squeeze %dma_wait3A_113 : memref<1x!tpu.dma_semaphore, #tpu.memory_space<semaphore_mem>> -> memref<!tpu.dma_semaphore, #tpu.memory_space<semaphore_mem>>
      tpu.wait_indirect_dma semaphore(%dma_wait3A_114 : memref<!tpu.dma_semaphore, #tpu.memory_space<semaphore_mem>>) src(%dma_wait3A_106 : memref<80x128xf32, #tpu.memory_space<vmem>>) dst(%dma_wait3A_112 : memref<10240x128xf32, #tpu.memory_space<vmem_shared>>)
      %add3A_115 = arith.constant 2 : i32
      %add3A_116 = arith.addi %while3A_37, %add3A_115 : i32
      %lt3A = arith.cmpi slt, %add3A_116, %select_n3A_14 : i32
      %convert_element_type3A_117 = arith.extui %lt3A : i1 to i32
      %cond3A_118 = arith.constant 0 : i32
      %cond3A_119 = arith.cmpi ne, %convert_element_type3A_117, %cond3A_118 : i32
      scf.if %cond3A_119 {
        %add3A_121 = arith.constant 2 : i32
        %add3A_122 = arith.addi %while3A_37, %add3A_121 : i32
        %mul3A_123 = arith.constant 16 : i32
        %mul3A_124 = arith.muli %add3A_122, %mul3A_123 : i32
        %add3A_125 = arith.addi %select_n3A, %mul3A_124 : i32
        %dma_start3A_126 = arith.constant 0 : i32
        %dma_start3A_127 = arith.constant 0 : i32
        %dma_start3A_128 = tpu.memref_slice %arg6[%mul3A_41, %dma_start3A_127] : memref<32x80xi32, #tpu.memory_space<vmem>> -> memref<16x80xi32, #tpu.memory_space<vmem>>
        %dma_start3A_129 = arith.constant 0 : i32
        %dma_start3A_130 = tpu.memref_slice %arg2[%dma_start3A_126, %add3A_125, %dma_start3A_129] : memref<2x4096x80xi32, #tpu.memory_space<hbm>> -> memref<1x16x80xi32, #tpu.memory_space<hbm>>
        %dma_start3A_131 = tpu.memref_squeeze %dma_start3A_130 : memref<1x16x80xi32, #tpu.memory_space<hbm>> -> memref<16x80xi32, #tpu.memory_space<hbm>>
        %dma_start3A_132 = arith.constant 0 : i32
        %dma_start3A_133 = tpu.memref_slice %arg6[%mul3A_41, %dma_start3A_132] : memref<32x80xi32, #tpu.memory_space<vmem>> -> memref<16x80xi32, #tpu.memory_space<vmem>>
        %dma_start3A_134 = arith.constant 0 : i32
        %dma_start3A_135 = tpu.memref_slice %arg2[%dma_start3A_126, %add3A_125, %dma_start3A_134] : memref<2x4096x80xi32, #tpu.memory_space<hbm>> -> memref<1x16x80xi32, #tpu.memory_space<hbm>>
        %dma_start3A_136 = tpu.memref_squeeze %dma_start3A_135 : memref<1x16x80xi32, #tpu.memory_space<hbm>> -> memref<16x80xi32, #tpu.memory_space<hbm>>
        tpu.enqueue_dma source(%dma_start3A_136 : memref<16x80xi32, #tpu.memory_space<hbm>>) target(%dma_start3A_133 : memref<16x80xi32, #tpu.memory_space<vmem>>) target_semaphore(%arg12 : memref<!tpu.dma_semaphore, #tpu.memory_space<semaphore_mem>>)
        %dma_start3A_137 = arith.constant 1 : i32
        %dma_start3A_138 = arith.constant 0 : i32
        %dma_start3A_139 = tpu.memref_slice %arg7[%mul3A_41, %dma_start3A_138] : memref<32x80xi32, #tpu.memory_space<vmem>> -> memref<16x80xi32, #tpu.memory_space<vmem>>
        %dma_start3A_140 = arith.constant 0 : i32
        %dma_start3A_141 = tpu.memref_slice %arg2[%dma_start3A_137, %add3A_125, %dma_start3A_140] : memref<2x4096x80xi32, #tpu.memory_space<hbm>> -> memref<1x16x80xi32, #tpu.memory_space<hbm>>
        %dma_start3A_142 = tpu.memref_squeeze %dma_start3A_141 : memref<1x16x80xi32, #tpu.memory_space<hbm>> -> memref<16x80xi32, #tpu.memory_space<hbm>>
        %dma_start3A_143 = arith.constant 0 : i32
        %dma_start3A_144 = tpu.memref_slice %arg7[%mul3A_41, %dma_start3A_143] : memref<32x80xi32, #tpu.memory_space<vmem>> -> memref<16x80xi32, #tpu.memory_space<vmem>>
        %dma_start3A_145 = arith.constant 0 : i32
        %dma_start3A_146 = tpu.memref_slice %arg2[%dma_start3A_137, %add3A_125, %dma_start3A_145] : memref<2x4096x80xi32, #tpu.memory_space<hbm>> -> memref<1x16x80xi32, #tpu.memory_space<hbm>>
        %dma_start3A_147 = tpu.memref_squeeze %dma_start3A_146 : memref<1x16x80xi32, #tpu.memory_space<hbm>> -> memref<16x80xi32, #tpu.memory_space<hbm>>
        tpu.enqueue_dma source(%dma_start3A_147 : memref<16x80xi32, #tpu.memory_space<hbm>>) target(%dma_start3A_144 : memref<16x80xi32, #tpu.memory_space<vmem>>) target_semaphore(%arg12 : memref<!tpu.dma_semaphore, #tpu.memory_space<semaphore_mem>>)
      } else {
      }
      %while3A_120 = arith.constant 0 : i32
      scf.yield %while3A_120 : i32
    }
    %while3A_27 = arith.constant 1 : i32
    %while3A_28 = scf.for %while3A_37 = %while3A_24 to %while3A_20 step %while3A_27 iter_args(%while3A_38 = %while3A_26) -> (i32)  : i32 {
      %rem3A = arith.constant 2 : i32
      %rem3A_39 = arith.remsi %while3A_37, %rem3A : i32
      %mul3A_40 = arith.constant 16 : i32
      %mul3A_41 = arith.muli %rem3A_39, %mul3A_40 : i32
      %gt3A_42 = arith.constant 0 : i32
      %gt3A_43 = arith.cmpi sgt, %while3A_37, %gt3A_42 : i32
      %convert_element_type3A_44 = arith.extui %gt3A_43 : i1 to i32
      %cond3A_45 = arith.constant 0 : i32
      %cond3A_46 = arith.cmpi ne, %convert_element_type3A_44, %cond3A_45 : i32
      scf.if %cond3A_46 {
        %dma_wait3A_121 = arith.constant 0 : i32
        %dma_wait3A_122 = arith.constant 0 : i32
        %dma_wait3A_123 = arith.constant 0 : i32
        %dma_wait3A_124 = tpu.memref_slice %arg6[%dma_wait3A_122, %dma_wait3A_123] : memref<32x80xi32, #tpu.memory_space<vmem>> -> memref<16x80xi32, #tpu.memory_space<vmem>>
        %dma_wait3A_125 = arith.constant 0 : i32
        %dma_wait3A_126 = arith.constant 0 : i32
        %dma_wait3A_127 = tpu.memref_slice %arg2[%dma_wait3A_121, %dma_wait3A_125, %dma_wait3A_126] : memref<2x4096x80xi32, #tpu.memory_space<hbm>> -> memref<1x16x80xi32, #tpu.memory_space<hbm>>
        %dma_wait3A_128 = tpu.memref_squeeze %dma_wait3A_127 : memref<1x16x80xi32, #tpu.memory_space<hbm>> -> memref<16x80xi32, #tpu.memory_space<hbm>>
        %dma_wait3A_129 = arith.constant 0 : i32
        %dma_wait3A_130 = arith.constant 0 : i32
        %dma_wait3A_131 = tpu.memref_slice %arg6[%dma_wait3A_129, %dma_wait3A_130] : memref<32x80xi32, #tpu.memory_space<vmem>> -> memref<16x80xi32, #tpu.memory_space<vmem>>
        %dma_wait3A_132 = arith.constant 0 : i32
        %dma_wait3A_133 = arith.constant 0 : i32
        %dma_wait3A_134 = tpu.memref_slice %arg2[%dma_wait3A_121, %dma_wait3A_132, %dma_wait3A_133] : memref<2x4096x80xi32, #tpu.memory_space<hbm>> -> memref<1x16x80xi32, #tpu.memory_space<hbm>>
        %dma_wait3A_135 = tpu.memref_squeeze %dma_wait3A_134 : memref<1x16x80xi32, #tpu.memory_space<hbm>> -> memref<16x80xi32, #tpu.memory_space<hbm>>
        tpu.wait_dma2 semaphore(%arg12 : memref<!tpu.dma_semaphore, #tpu.memory_space<semaphore_mem>>) src(%dma_wait3A_135 : memref<16x80xi32, #tpu.memory_space<hbm>>) dst(%dma_wait3A_131 : memref<16x80xi32, #tpu.memory_space<vmem>>)
        %dma_wait3A_136 = arith.constant 1 : i32
        %dma_wait3A_137 = arith.constant 0 : i32
        %dma_wait3A_138 = arith.constant 0 : i32
        %dma_wait3A_139 = tpu.memref_slice %arg7[%dma_wait3A_137, %dma_wait3A_138] : memref<32x80xi32, #tpu.memory_space<vmem>> -> memref<16x80xi32, #tpu.memory_space<vmem>>
        %dma_wait3A_140 = arith.constant 0 : i32
        %dma_wait3A_141 = arith.constant 0 : i32
        %dma_wait3A_142 = tpu.memref_slice %arg2[%dma_wait3A_136, %dma_wait3A_140, %dma_wait3A_141] : memref<2x4096x80xi32, #tpu.memory_space<hbm>> -> memref<1x16x80xi32, #tpu.memory_space<hbm>>
        %dma_wait3A_143 = tpu.memref_squeeze %dma_wait3A_142 : memref<1x16x80xi32, #tpu.memory_space<hbm>> -> memref<16x80xi32, #tpu.memory_space<hbm>>
        %dma_wait3A_144 = arith.constant 0 : i32
        %dma_wait3A_145 = arith.constant 0 : i32
        %dma_wait3A_146 = tpu.memref_slice %arg7[%dma_wait3A_144, %dma_wait3A_145] : memref<32x80xi32, #tpu.memory_space<vmem>> -> memref<16x80xi32, #tpu.memory_space<vmem>>
        %dma_wait3A_147 = arith.constant 0 : i32
        %dma_wait3A_148 = arith.constant 0 : i32
        %dma_wait3A_149 = tpu.memref_slice %arg2[%dma_wait3A_136, %dma_wait3A_147, %dma_wait3A_148] : memref<2x4096x80xi32, #tpu.memory_space<hbm>> -> memref<1x16x80xi32, #tpu.memory_space<hbm>>
        %dma_wait3A_150 = tpu.memref_squeeze %dma_wait3A_149 : memref<1x16x80xi32, #tpu.memory_space<hbm>> -> memref<16x80xi32, #tpu.memory_space<hbm>>
        tpu.wait_dma2 semaphore(%arg12 : memref<!tpu.dma_semaphore, #tpu.memory_space<semaphore_mem>>) src(%dma_wait3A_150 : memref<16x80xi32, #tpu.memory_space<hbm>>) dst(%dma_wait3A_146 : memref<16x80xi32, #tpu.memory_space<vmem>>)
      } else {
      }
      %add3A_47 = arith.constant 0 : i32
      %add3A_48 = arith.addi %mul3A_41, %add3A_47 : i32
      %dma_start3A = arith.constant 0 : i32
      %dma_start3A_49 = arith.constant 0 : i32
      %dma_start3A_50 = arith.constant 0 : i32
      %dma_start3A_51 = arith.constant 0 : i32
      %dma_start3A_52 = tpu.memref_slice %arg8[%dma_start3A, %dma_start3A_50, %dma_start3A_51] : memref<4x80x128xf32, #tpu.memory_space<vmem>> -> memref<1x80x128xf32, #tpu.memory_space<vmem>>
      %dma_start3A_53 = tpu.memref_squeeze %dma_start3A_52 : memref<1x80x128xf32, #tpu.memory_space<vmem>> -> memref<80x128xf32, #tpu.memory_space<vmem>>
      %dma_start3A_54 = arith.constant 0 : i32
      %dma_start3A_55 = tpu.memref_slice %arg6[%add3A_48, %dma_start3A_54] : memref<32x80xi32, #tpu.memory_space<vmem>> -> memref<1x80xi32, #tpu.memory_space<vmem>>
      %dma_start3A_56 = tpu.memref_squeeze %dma_start3A_55 : memref<1x80xi32, #tpu.memory_space<vmem>> -> memref<80xi32, #tpu.memory_space<vmem>>
      %dma_start3A_57 = arith.constant 0 : i32
      %dma_start3A_58 = arith.constant 0 : i32
      %dma_start3A_59 = tpu.memref_slice %arg4[%dma_start3A_57, %dma_start3A_58] : memref<10000x128xf32, #tpu.memory_space<hbm>> -> memref<10000x128xf32, #tpu.memory_space<hbm>>
      %dma_start3A_60 = tpu.memref_slice %arg10[%dma_start3A_49] : memref<4x!tpu.dma_semaphore, #tpu.memory_space<semaphore_mem>> -> memref<1x!tpu.dma_semaphore, #tpu.memory_space<semaphore_mem>>
      %dma_start3A_61 = tpu.memref_squeeze %dma_start3A_60 : memref<1x!tpu.dma_semaphore, #tpu.memory_space<semaphore_mem>> -> memref<!tpu.dma_semaphore, #tpu.memory_space<semaphore_mem>>
      tpu.enqueue_indirect_dma source(%dma_start3A_59 : memref<10000x128xf32, #tpu.memory_space<hbm>>) target(%dma_start3A_53 : memref<80x128xf32, #tpu.memory_space<vmem>>) offsets(%dma_start3A_56 : memref<80xi32, #tpu.memory_space<vmem>>) semaphore(%dma_start3A_61 : memref<!tpu.dma_semaphore, #tpu.memory_space<semaphore_mem>>)
      %add3A_62 = arith.constant 1 : i32
      %add3A_63 = arith.addi %mul3A_41, %add3A_62 : i32
      %dma_start3A_64 = arith.constant 1 : i32
      %dma_start3A_65 = arith.constant 1 : i32
      %dma_start3A_66 = arith.constant 0 : i32
      %dma_start3A_67 = arith.constant 0 : i32
      %dma_start3A_68 = tpu.memref_slice %arg8[%dma_start3A_64, %dma_start3A_66, %dma_start3A_67] : memref<4x80x128xf32, #tpu.memory_space<vmem>> -> memref<1x80x128xf32, #tpu.memory_space<vmem>>
      %dma_start3A_69 = tpu.memref_squeeze %dma_start3A_68 : memref<1x80x128xf32, #tpu.memory_space<vmem>> -> memref<80x128xf32, #tpu.memory_space<vmem>>
      %dma_start3A_70 = arith.constant 0 : i32
      %dma_start3A_71 = tpu.memref_slice %arg6[%add3A_63, %dma_start3A_70] : memref<32x80xi32, #tpu.memory_space<vmem>> -> memref<1x80xi32, #tpu.memory_space<vmem>>
      %dma_start3A_72 = tpu.memref_squeeze %dma_start3A_71 : memref<1x80xi32, #tpu.memory_space<vmem>> -> memref<80xi32, #tpu.memory_space<vmem>>
      %dma_start3A_73 = arith.constant 0 : i32
      %dma_start3A_74 = arith.constant 0 : i32
      %dma_start3A_75 = tpu.memref_slice %arg4[%dma_start3A_73, %dma_start3A_74] : memref<10000x128xf32, #tpu.memory_space<hbm>> -> memref<10000x128xf32, #tpu.memory_space<hbm>>
      %dma_start3A_76 = tpu.memref_slice %arg10[%dma_start3A_65] : memref<4x!tpu.dma_semaphore, #tpu.memory_space<semaphore_mem>> -> memref<1x!tpu.dma_semaphore, #tpu.memory_space<semaphore_mem>>
      %dma_start3A_77 = tpu.memref_squeeze %dma_start3A_76 : memref<1x!tpu.dma_semaphore, #tpu.memory_space<semaphore_mem>> -> memref<!tpu.dma_semaphore, #tpu.memory_space<semaphore_mem>>
      tpu.enqueue_indirect_dma source(%dma_start3A_75 : memref<10000x128xf32, #tpu.memory_space<hbm>>) target(%dma_start3A_69 : memref<80x128xf32, #tpu.memory_space<vmem>>) offsets(%dma_start3A_72 : memref<80xi32, #tpu.memory_space<vmem>>) semaphore(%dma_start3A_77 : memref<!tpu.dma_semaphore, #tpu.memory_space<semaphore_mem>>)
      %add3A_78 = arith.constant 2 : i32
      %add3A_79 = arith.addi %mul3A_41, %add3A_78 : i32
      %dma_start3A_80 = arith.constant 2 : i32
      %dma_start3A_81 = arith.constant 2 : i32
      %dma_start3A_82 = arith.constant 0 : i32
      %dma_start3A_83 = arith.constant 0 : i32
      %dma_start3A_84 = tpu.memref_slice %arg8[%dma_start3A_80, %dma_start3A_82, %dma_start3A_83] : memref<4x80x128xf32, #tpu.memory_space<vmem>> -> memref<1x80x128xf32, #tpu.memory_space<vmem>>
      %dma_start3A_85 = tpu.memref_squeeze %dma_start3A_84 : memref<1x80x128xf32, #tpu.memory_space<vmem>> -> memref<80x128xf32, #tpu.memory_space<vmem>>
      %dma_start3A_86 = arith.constant 0 : i32
      %dma_start3A_87 = tpu.memref_slice %arg6[%add3A_79, %dma_start3A_86] : memref<32x80xi32, #tpu.memory_space<vmem>> -> memref<1x80xi32, #tpu.memory_space<vmem>>
      %dma_start3A_88 = tpu.memref_squeeze %dma_start3A_87 : memref<1x80xi32, #tpu.memory_space<vmem>> -> memref<80xi32, #tpu.memory_space<vmem>>
      %dma_start3A_89 = arith.constant 0 : i32
      %dma_start3A_90 = arith.constant 0 : i32
      %dma_start3A_91 = tpu.memref_slice %arg4[%dma_start3A_89, %dma_start3A_90] : memref<10000x128xf32, #tpu.memory_space<hbm>> -> memref<10000x128xf32, #tpu.memory_space<hbm>>
      %dma_start3A_92 = tpu.memref_slice %arg10[%dma_start3A_81] : memref<4x!tpu.dma_semaphore, #tpu.memory_space<semaphore_mem>> -> memref<1x!tpu.dma_semaphore, #tpu.memory_space<semaphore_mem>>
      %dma_start3A_93 = tpu.memref_squeeze %dma_start3A_92 : memref<1x!tpu.dma_semaphore, #tpu.memory_space<semaphore_mem>> -> memref<!tpu.dma_semaphore, #tpu.memory_space<semaphore_mem>>
      tpu.enqueue_indirect_dma source(%dma_start3A_91 : memref<10000x128xf32, #tpu.memory_space<hbm>>) target(%dma_start3A_85 : memref<80x128xf32, #tpu.memory_space<vmem>>) offsets(%dma_start3A_88 : memref<80xi32, #tpu.memory_space<vmem>>) semaphore(%dma_start3A_93 : memref<!tpu.dma_semaphore, #tpu.memory_space<semaphore_mem>>)
      %scan3A_94 = arith.constant 0 : i32
      %scan3A_95 = arith.constant 0 : i32
      %scan3A_96 = arith.constant 4 : i32
      %scan3A_97 = arith.addi %scan3A_95, %scan3A_96 : i32
      %scan3A_98 = arith.constant 1 : i32
      %scan3A_99 = scf.for %scan3A_121 = %scan3A_95 to %scan3A_97 step %scan3A_98 iter_args(%scan3A_122 = %scan3A_94) -> (i32)  : i32 {
        %mul3A_123 = arith.constant 4 : i32
        %mul3A_124 = arith.muli %scan3A_121, %mul3A_123 : i32
        %add3A_125 = arith.constant 0 : i32
        %add3A_126 = arith.addi %mul3A_124, %add3A_125 : i32
        %add3A_127 = arith.addi %mul3A_41, %add3A_126 : i32
        %dma_wait3A_128 = arith.constant 0 : i32
        %dma_wait3A_129 = arith.constant 0 : i32
        %dma_wait3A_130 = arith.constant 0 : i32
        %dma_wait3A_131 = arith.constant 0 : i32
        %dma_wait3A_132 = tpu.memref_slice %arg8[%dma_wait3A_128, %dma_wait3A_130, %dma_wait3A_131] : memref<4x80x128xf32, #tpu.memory_space<vmem>> -> memref<1x80x128xf32, #tpu.memory_space<vmem>>
        %dma_wait3A_133 = tpu.memref_squeeze %dma_wait3A_132 : memref<1x80x128xf32, #tpu.memory_space<vmem>> -> memref<80x128xf32, #tpu.memory_space<vmem>>
        %dma_wait3A_134 = arith.constant 0 : i32
        %dma_wait3A_135 = tpu.memref_slice %arg6[%add3A_127, %dma_wait3A_134] : memref<32x80xi32, #tpu.memory_space<vmem>> -> memref<1x80xi32, #tpu.memory_space<vmem>>
        %dma_wait3A_136 = tpu.memref_squeeze %dma_wait3A_135 : memref<1x80xi32, #tpu.memory_space<vmem>> -> memref<80xi32, #tpu.memory_space<vmem>>
        %dma_wait3A_137 = arith.constant 0 : i32
        %dma_wait3A_138 = arith.constant 0 : i32
        %dma_wait3A_139 = tpu.memref_slice %arg4[%dma_wait3A_137, %dma_wait3A_138] : memref<10000x128xf32, #tpu.memory_space<hbm>> -> memref<10000x128xf32, #tpu.memory_space<hbm>>
        %dma_wait3A_140 = tpu.memref_slice %arg10[%dma_wait3A_129] : memref<4x!tpu.dma_semaphore, #tpu.memory_space<semaphore_mem>> -> memref<1x!tpu.dma_semaphore, #tpu.memory_space<semaphore_mem>>
        %dma_wait3A_141 = tpu.memref_squeeze %dma_wait3A_140 : memref<1x!tpu.dma_semaphore, #tpu.memory_space<semaphore_mem>> -> memref<!tpu.dma_semaphore, #tpu.memory_space<semaphore_mem>>
        tpu.wait_indirect_dma semaphore(%dma_wait3A_141 : memref<!tpu.dma_semaphore, #tpu.memory_space<semaphore_mem>>) src(%dma_wait3A_139 : memref<10000x128xf32, #tpu.memory_space<hbm>>) dst(%dma_wait3A_133 : memref<80x128xf32, #tpu.memory_space<vmem>>)
        %dma_start3A_142 = arith.constant 0 : i32
        %dma_start3A_143 = arith.constant 0 : i32
        %dma_start3A_144 = arith.constant 0 : i32
        %dma_start3A_145 = arith.constant 0 : i32
        %dma_start3A_146 = tpu.memref_slice %arg8[%dma_start3A_142, %dma_start3A_144, %dma_start3A_145] : memref<4x80x128xf32, #tpu.memory_space<vmem>> -> memref<1x80x128xf32, #tpu.memory_space<vmem>>
        %dma_start3A_147 = tpu.memref_squeeze %dma_start3A_146 : memref<1x80x128xf32, #tpu.memory_space<vmem>> -> memref<80x128xf32, #tpu.memory_space<vmem>>
        %dma_start3A_148 = arith.constant 0 : i32
        %dma_start3A_149 = tpu.memref_slice %arg7[%add3A_127, %dma_start3A_148] : memref<32x80xi32, #tpu.memory_space<vmem>> -> memref<1x80xi32, #tpu.memory_space<vmem>>
        %dma_start3A_150 = tpu.memref_squeeze %dma_start3A_149 : memref<1x80xi32, #tpu.memory_space<vmem>> -> memref<80xi32, #tpu.memory_space<vmem>>
        %dma_start3A_151 = arith.constant 0 : i32
        %dma_start3A_152 = arith.constant 0 : i32
        %dma_start3A_153 = tpu.memref_slice %arg9[%dma_start3A_151, %dma_start3A_152] : memref<10240x128xf32, #tpu.memory_space<vmem_shared>> -> memref<10240x128xf32, #tpu.memory_space<vmem_shared>>
        %dma_start3A_154 = tpu.memref_slice %arg11[%dma_start3A_143] : memref<4x!tpu.dma_semaphore, #tpu.memory_space<semaphore_mem>> -> memref<1x!tpu.dma_semaphore, #tpu.memory_space<semaphore_mem>>
        %dma_start3A_155 = tpu.memref_squeeze %dma_start3A_154 : memref<1x!tpu.dma_semaphore, #tpu.memory_space<semaphore_mem>> -> memref<!tpu.dma_semaphore, #tpu.memory_space<semaphore_mem>>
        tpu.enqueue_indirect_dma source(%dma_start3A_147 : memref<80x128xf32, #tpu.memory_space<vmem>>) target(%dma_start3A_153 : memref<10240x128xf32, #tpu.memory_space<vmem_shared>>) offsets(%dma_start3A_150 : memref<80xi32, #tpu.memory_space<vmem>>) semaphore(%dma_start3A_155 : memref<!tpu.dma_semaphore, #tpu.memory_space<semaphore_mem>>) {add = true}
        %gt3A_156 = arith.constant 0 : i32
        %gt3A_157 = arith.cmpi sgt, %add3A_126, %gt3A_156 : i32
        %convert_element_type3A_158 = arith.extui %gt3A_157 : i1 to i32
        %cond3A_159 = arith.constant 0 : i32
        %cond3A_160 = arith.cmpi ne, %convert_element_type3A_158, %cond3A_159 : i32
        scf.if %cond3A_160 {
          %dma_wait3A_296 = arith.constant 3 : i32
          %dma_wait3A_297 = arith.constant 0 : i32
          %dma_wait3A_298 = arith.constant 3 : i32
          %dma_wait3A_299 = arith.constant 0 : i32
          %dma_wait3A_300 = arith.constant 0 : i32
          %dma_wait3A_301 = tpu.memref_slice %arg8[%dma_wait3A_296, %dma_wait3A_299, %dma_wait3A_300] : memref<4x80x128xf32, #tpu.memory_space<vmem>> -> memref<1x80x128xf32, #tpu.memory_space<vmem>>
          %dma_wait3A_302 = tpu.memref_squeeze %dma_wait3A_301 : memref<1x80x128xf32, #tpu.memory_space<vmem>> -> memref<80x128xf32, #tpu.memory_space<vmem>>
          %dma_wait3A_303 = arith.constant 0 : i32
          %dma_wait3A_304 = tpu.memref_slice %arg7[%dma_wait3A_297, %dma_wait3A_303] : memref<32x80xi32, #tpu.memory_space<vmem>> -> memref<1x80xi32, #tpu.memory_space<vmem>>
          %dma_wait3A_305 = tpu.memref_squeeze %dma_wait3A_304 : memref<1x80xi32, #tpu.memory_space<vmem>> -> memref<80xi32, #tpu.memory_space<vmem>>
          %dma_wait3A_306 = arith.constant 0 : i32
          %dma_wait3A_307 = arith.constant 0 : i32
          %dma_wait3A_308 = tpu.memref_slice %arg9[%dma_wait3A_306, %dma_wait3A_307] : memref<10240x128xf32, #tpu.memory_space<vmem_shared>> -> memref<10240x128xf32, #tpu.memory_space<vmem_shared>>
          %dma_wait3A_309 = tpu.memref_slice %arg11[%dma_wait3A_298] : memref<4x!tpu.dma_semaphore, #tpu.memory_space<semaphore_mem>> -> memref<1x!tpu.dma_semaphore, #tpu.memory_space<semaphore_mem>>
          %dma_wait3A_310 = tpu.memref_squeeze %dma_wait3A_309 : memref<1x!tpu.dma_semaphore, #tpu.memory_space<semaphore_mem>> -> memref<!tpu.dma_semaphore, #tpu.memory_space<semaphore_mem>>
          tpu.wait_indirect_dma semaphore(%dma_wait3A_310 : memref<!tpu.dma_semaphore, #tpu.memory_space<semaphore_mem>>) src(%dma_wait3A_302 : memref<80x128xf32, #tpu.memory_space<vmem>>) dst(%dma_wait3A_308 : memref<10240x128xf32, #tpu.memory_space<vmem_shared>>)
        } else {
        }
        %lt3A_161 = arith.constant 13 : i32
        %lt3A_162 = arith.cmpi slt, %add3A_126, %lt3A_161 : i32
        %convert_element_type3A_163 = arith.extui %lt3A_162 : i1 to i32
        %cond3A_164 = arith.constant 0 : i32
        %cond3A_165 = arith.cmpi ne, %convert_element_type3A_163, %cond3A_164 : i32
        scf.if %cond3A_165 {
          %add3A_296 = arith.constant 4 : i32
          %add3A_297 = arith.addi %add3A_127, %add3A_296 : i32
          %sub3A = arith.constant 1 : i32
          %sub3A_298 = arith.subi %add3A_297, %sub3A : i32
          %dma_start3A_299 = arith.constant 3 : i32
          %dma_start3A_300 = arith.constant 3 : i32
          %dma_start3A_301 = arith.constant 0 : i32
          %dma_start3A_302 = arith.constant 0 : i32
          %dma_start3A_303 = tpu.memref_slice %arg8[%dma_start3A_299, %dma_start3A_301, %dma_start3A_302] : memref<4x80x128xf32, #tpu.memory_space<vmem>> -> memref<1x80x128xf32, #tpu.memory_space<vmem>>
          %dma_start3A_304 = tpu.memref_squeeze %dma_start3A_303 : memref<1x80x128xf32, #tpu.memory_space<vmem>> -> memref<80x128xf32, #tpu.memory_space<vmem>>
          %dma_start3A_305 = arith.constant 0 : i32
          %dma_start3A_306 = tpu.memref_slice %arg6[%sub3A_298, %dma_start3A_305] : memref<32x80xi32, #tpu.memory_space<vmem>> -> memref<1x80xi32, #tpu.memory_space<vmem>>
          %dma_start3A_307 = tpu.memref_squeeze %dma_start3A_306 : memref<1x80xi32, #tpu.memory_space<vmem>> -> memref<80xi32, #tpu.memory_space<vmem>>
          %dma_start3A_308 = arith.constant 0 : i32
          %dma_start3A_309 = arith.constant 0 : i32
          %dma_start3A_310 = tpu.memref_slice %arg4[%dma_start3A_308, %dma_start3A_309] : memref<10000x128xf32, #tpu.memory_space<hbm>> -> memref<10000x128xf32, #tpu.memory_space<hbm>>
          %dma_start3A_311 = tpu.memref_slice %arg10[%dma_start3A_300] : memref<4x!tpu.dma_semaphore, #tpu.memory_space<semaphore_mem>> -> memref<1x!tpu.dma_semaphore, #tpu.memory_space<semaphore_mem>>
          %dma_start3A_312 = tpu.memref_squeeze %dma_start3A_311 : memref<1x!tpu.dma_semaphore, #tpu.memory_space<semaphore_mem>> -> memref<!tpu.dma_semaphore, #tpu.memory_space<semaphore_mem>>
          tpu.enqueue_indirect_dma source(%dma_start3A_310 : memref<10000x128xf32, #tpu.memory_space<hbm>>) target(%dma_start3A_304 : memref<80x128xf32, #tpu.memory_space<vmem>>) offsets(%dma_start3A_307 : memref<80xi32, #tpu.memory_space<vmem>>) semaphore(%dma_start3A_312 : memref<!tpu.dma_semaphore, #tpu.memory_space<semaphore_mem>>)
        } else {
        }
        %mul3A_166 = arith.constant 4 : i32
        %mul3A_167 = arith.muli %scan3A_121, %mul3A_166 : i32
        %add3A_168 = arith.constant 1 : i32
        %add3A_169 = arith.addi %mul3A_167, %add3A_168 : i32
        %add3A_170 = arith.addi %mul3A_41, %add3A_169 : i32
        %dma_wait3A_171 = arith.constant 1 : i32
        %dma_wait3A_172 = arith.constant 1 : i32
        %dma_wait3A_173 = arith.constant 0 : i32
        %dma_wait3A_174 = arith.constant 0 : i32
        %dma_wait3A_175 = tpu.memref_slice %arg8[%dma_wait3A_171, %dma_wait3A_173, %dma_wait3A_174] : memref<4x80x128xf32, #tpu.memory_space<vmem>> -> memref<1x80x128xf32, #tpu.memory_space<vmem>>
        %dma_wait3A_176 = tpu.memref_squeeze %dma_wait3A_175 : memref<1x80x128xf32, #tpu.memory_space<vmem>> -> memref<80x128xf32, #tpu.memory_space<vmem>>
        %dma_wait3A_177 = arith.constant 0 : i32
        %dma_wait3A_178 = tpu.memref_slice %arg6[%add3A_170, %dma_wait3A_177] : memref<32x80xi32, #tpu.memory_space<vmem>> -> memref<1x80xi32, #tpu.memory_space<vmem>>
        %dma_wait3A_179 = tpu.memref_squeeze %dma_wait3A_178 : memref<1x80xi32, #tpu.memory_space<vmem>> -> memref<80xi32, #tpu.memory_space<vmem>>
        %dma_wait3A_180 = arith.constant 0 : i32
        %dma_wait3A_181 = arith.constant 0 : i32
        %dma_wait3A_182 = tpu.memref_slice %arg4[%dma_wait3A_180, %dma_wait3A_181] : memref<10000x128xf32, #tpu.memory_space<hbm>> -> memref<10000x128xf32, #tpu.memory_space<hbm>>
        %dma_wait3A_183 = tpu.memref_slice %arg10[%dma_wait3A_172] : memref<4x!tpu.dma_semaphore, #tpu.memory_space<semaphore_mem>> -> memref<1x!tpu.dma_semaphore, #tpu.memory_space<semaphore_mem>>
        %dma_wait3A_184 = tpu.memref_squeeze %dma_wait3A_183 : memref<1x!tpu.dma_semaphore, #tpu.memory_space<semaphore_mem>> -> memref<!tpu.dma_semaphore, #tpu.memory_space<semaphore_mem>>
        tpu.wait_indirect_dma semaphore(%dma_wait3A_184 : memref<!tpu.dma_semaphore, #tpu.memory_space<semaphore_mem>>) src(%dma_wait3A_182 : memref<10000x128xf32, #tpu.memory_space<hbm>>) dst(%dma_wait3A_176 : memref<80x128xf32, #tpu.memory_space<vmem>>)
        %dma_start3A_185 = arith.constant 1 : i32
        %dma_start3A_186 = arith.constant 1 : i32
        %dma_start3A_187 = arith.constant 0 : i32
        %dma_start3A_188 = arith.constant 0 : i32
        %dma_start3A_189 = tpu.memref_slice %arg8[%dma_start3A_185, %dma_start3A_187, %dma_start3A_188] : memref<4x80x128xf32, #tpu.memory_space<vmem>> -> memref<1x80x128xf32, #tpu.memory_space<vmem>>
        %dma_start3A_190 = tpu.memref_squeeze %dma_start3A_189 : memref<1x80x128xf32, #tpu.memory_space<vmem>> -> memref<80x128xf32, #tpu.memory_space<vmem>>
        %dma_start3A_191 = arith.constant 0 : i32
        %dma_start3A_192 = tpu.memref_slice %arg7[%add3A_170, %dma_start3A_191] : memref<32x80xi32, #tpu.memory_space<vmem>> -> memref<1x80xi32, #tpu.memory_space<vmem>>
        %dma_start3A_193 = tpu.memref_squeeze %dma_start3A_192 : memref<1x80xi32, #tpu.memory_space<vmem>> -> memref<80xi32, #tpu.memory_space<vmem>>
        %dma_start3A_194 = arith.constant 0 : i32
        %dma_start3A_195 = arith.constant 0 : i32
        %dma_start3A_196 = tpu.memref_slice %arg9[%dma_start3A_194, %dma_start3A_195] : memref<10240x128xf32, #tpu.memory_space<vmem_shared>> -> memref<10240x128xf32, #tpu.memory_space<vmem_shared>>
        %dma_start3A_197 = tpu.memref_slice %arg11[%dma_start3A_186] : memref<4x!tpu.dma_semaphore, #tpu.memory_space<semaphore_mem>> -> memref<1x!tpu.dma_semaphore, #tpu.memory_space<semaphore_mem>>
        %dma_start3A_198 = tpu.memref_squeeze %dma_start3A_197 : memref<1x!tpu.dma_semaphore, #tpu.memory_space<semaphore_mem>> -> memref<!tpu.dma_semaphore, #tpu.memory_space<semaphore_mem>>
        tpu.enqueue_indirect_dma source(%dma_start3A_190 : memref<80x128xf32, #tpu.memory_space<vmem>>) target(%dma_start3A_196 : memref<10240x128xf32, #tpu.memory_space<vmem_shared>>) offsets(%dma_start3A_193 : memref<80xi32, #tpu.memory_space<vmem>>) semaphore(%dma_start3A_198 : memref<!tpu.dma_semaphore, #tpu.memory_space<semaphore_mem>>) {add = true}
        %gt3A_199 = arith.constant 0 : i32
        %gt3A_200 = arith.cmpi sgt, %add3A_169, %gt3A_199 : i32
        %convert_element_type3A_201 = arith.extui %gt3A_200 : i1 to i32
        %cond3A_202 = arith.constant 0 : i32
        %cond3A_203 = arith.cmpi ne, %convert_element_type3A_201, %cond3A_202 : i32
        scf.if %cond3A_203 {
          %dma_wait3A_296 = arith.constant 0 : i32
          %dma_wait3A_297 = arith.constant 0 : i32
          %dma_wait3A_298 = arith.constant 0 : i32
          %dma_wait3A_299 = arith.constant 0 : i32
          %dma_wait3A_300 = arith.constant 0 : i32
          %dma_wait3A_301 = tpu.memref_slice %arg8[%dma_wait3A_296, %dma_wait3A_299, %dma_wait3A_300] : memref<4x80x128xf32, #tpu.memory_space<vmem>> -> memref<1x80x128xf32, #tpu.memory_space<vmem>>
          %dma_wait3A_302 = tpu.memref_squeeze %dma_wait3A_301 : memref<1x80x128xf32, #tpu.memory_space<vmem>> -> memref<80x128xf32, #tpu.memory_space<vmem>>
          %dma_wait3A_303 = arith.constant 0 : i32
          %dma_wait3A_304 = tpu.memref_slice %arg7[%dma_wait3A_297, %dma_wait3A_303] : memref<32x80xi32, #tpu.memory_space<vmem>> -> memref<1x80xi32, #tpu.memory_space<vmem>>
          %dma_wait3A_305 = tpu.memref_squeeze %dma_wait3A_304 : memref<1x80xi32, #tpu.memory_space<vmem>> -> memref<80xi32, #tpu.memory_space<vmem>>
          %dma_wait3A_306 = arith.constant 0 : i32
          %dma_wait3A_307 = arith.constant 0 : i32
          %dma_wait3A_308 = tpu.memref_slice %arg9[%dma_wait3A_306, %dma_wait3A_307] : memref<10240x128xf32, #tpu.memory_space<vmem_shared>> -> memref<10240x128xf32, #tpu.memory_space<vmem_shared>>
          %dma_wait3A_309 = tpu.memref_slice %arg11[%dma_wait3A_298] : memref<4x!tpu.dma_semaphore, #tpu.memory_space<semaphore_mem>> -> memref<1x!tpu.dma_semaphore, #tpu.memory_space<semaphore_mem>>
          %dma_wait3A_310 = tpu.memref_squeeze %dma_wait3A_309 : memref<1x!tpu.dma_semaphore, #tpu.memory_space<semaphore_mem>> -> memref<!tpu.dma_semaphore, #tpu.memory_space<semaphore_mem>>
          tpu.wait_indirect_dma semaphore(%dma_wait3A_310 : memref<!tpu.dma_semaphore, #tpu.memory_space<semaphore_mem>>) src(%dma_wait3A_302 : memref<80x128xf32, #tpu.memory_space<vmem>>) dst(%dma_wait3A_308 : memref<10240x128xf32, #tpu.memory_space<vmem_shared>>)
        } else {
        }
        %lt3A_204 = arith.constant 13 : i32
        %lt3A_205 = arith.cmpi slt, %add3A_169, %lt3A_204 : i32
        %convert_element_type3A_206 = arith.extui %lt3A_205 : i1 to i32
        %cond3A_207 = arith.constant 0 : i32
        %cond3A_208 = arith.cmpi ne, %convert_element_type3A_206, %cond3A_207 : i32
        scf.if %cond3A_208 {
          %add3A_296 = arith.constant 4 : i32
          %add3A_297 = arith.addi %add3A_170, %add3A_296 : i32
          %sub3A = arith.constant 1 : i32
          %sub3A_298 = arith.subi %add3A_297, %sub3A : i32
          %dma_start3A_299 = arith.constant 0 : i32
          %dma_start3A_300 = arith.constant 0 : i32
          %dma_start3A_301 = arith.constant 0 : i32
          %dma_start3A_302 = arith.constant 0 : i32
          %dma_start3A_303 = tpu.memref_slice %arg8[%dma_start3A_299, %dma_start3A_301, %dma_start3A_302] : memref<4x80x128xf32, #tpu.memory_space<vmem>> -> memref<1x80x128xf32, #tpu.memory_space<vmem>>
          %dma_start3A_304 = tpu.memref_squeeze %dma_start3A_303 : memref<1x80x128xf32, #tpu.memory_space<vmem>> -> memref<80x128xf32, #tpu.memory_space<vmem>>
          %dma_start3A_305 = arith.constant 0 : i32
          %dma_start3A_306 = tpu.memref_slice %arg6[%sub3A_298, %dma_start3A_305] : memref<32x80xi32, #tpu.memory_space<vmem>> -> memref<1x80xi32, #tpu.memory_space<vmem>>
          %dma_start3A_307 = tpu.memref_squeeze %dma_start3A_306 : memref<1x80xi32, #tpu.memory_space<vmem>> -> memref<80xi32, #tpu.memory_space<vmem>>
          %dma_start3A_308 = arith.constant 0 : i32
          %dma_start3A_309 = arith.constant 0 : i32
          %dma_start3A_310 = tpu.memref_slice %arg4[%dma_start3A_308, %dma_start3A_309] : memref<10000x128xf32, #tpu.memory_space<hbm>> -> memref<10000x128xf32, #tpu.memory_space<hbm>>
          %dma_start3A_311 = tpu.memref_slice %arg10[%dma_start3A_300] : memref<4x!tpu.dma_semaphore, #tpu.memory_space<semaphore_mem>> -> memref<1x!tpu.dma_semaphore, #tpu.memory_space<semaphore_mem>>
          %dma_start3A_312 = tpu.memref_squeeze %dma_start3A_311 : memref<1x!tpu.dma_semaphore, #tpu.memory_space<semaphore_mem>> -> memref<!tpu.dma_semaphore, #tpu.memory_space<semaphore_mem>>
          tpu.enqueue_indirect_dma source(%dma_start3A_310 : memref<10000x128xf32, #tpu.memory_space<hbm>>) target(%dma_start3A_304 : memref<80x128xf32, #tpu.memory_space<vmem>>) offsets(%dma_start3A_307 : memref<80xi32, #tpu.memory_space<vmem>>) semaphore(%dma_start3A_312 : memref<!tpu.dma_semaphore, #tpu.memory_space<semaphore_mem>>)
        } else {
        }
        %mul3A_209 = arith.constant 4 : i32
        %mul3A_210 = arith.muli %scan3A_121, %mul3A_209 : i32
        %add3A_211 = arith.constant 2 : i32
        %add3A_212 = arith.addi %mul3A_210, %add3A_211 : i32
        %add3A_213 = arith.addi %mul3A_41, %add3A_212 : i32
        %dma_wait3A_214 = arith.constant 2 : i32
        %dma_wait3A_215 = arith.constant 2 : i32
        %dma_wait3A_216 = arith.constant 0 : i32
        %dma_wait3A_217 = arith.constant 0 : i32
        %dma_wait3A_218 = tpu.memref_slice %arg8[%dma_wait3A_214, %dma_wait3A_216, %dma_wait3A_217] : memref<4x80x128xf32, #tpu.memory_space<vmem>> -> memref<1x80x128xf32, #tpu.memory_space<vmem>>
        %dma_wait3A_219 = tpu.memref_squeeze %dma_wait3A_218 : memref<1x80x128xf32, #tpu.memory_space<vmem>> -> memref<80x128xf32, #tpu.memory_space<vmem>>
        %dma_wait3A_220 = arith.constant 0 : i32
        %dma_wait3A_221 = tpu.memref_slice %arg6[%add3A_213, %dma_wait3A_220] : memref<32x80xi32, #tpu.memory_space<vmem>> -> memref<1x80xi32, #tpu.memory_space<vmem>>
        %dma_wait3A_222 = tpu.memref_squeeze %dma_wait3A_221 : memref<1x80xi32, #tpu.memory_space<vmem>> -> memref<80xi32, #tpu.memory_space<vmem>>
        %dma_wait3A_223 = arith.constant 0 : i32
        %dma_wait3A_224 = arith.constant 0 : i32
        %dma_wait3A_225 = tpu.memref_slice %arg4[%dma_wait3A_223, %dma_wait3A_224] : memref<10000x128xf32, #tpu.memory_space<hbm>> -> memref<10000x128xf32, #tpu.memory_space<hbm>>
        %dma_wait3A_226 = tpu.memref_slice %arg10[%dma_wait3A_215] : memref<4x!tpu.dma_semaphore, #tpu.memory_space<semaphore_mem>> -> memref<1x!tpu.dma_semaphore, #tpu.memory_space<semaphore_mem>>
        %dma_wait3A_227 = tpu.memref_squeeze %dma_wait3A_226 : memref<1x!tpu.dma_semaphore, #tpu.memory_space<semaphore_mem>> -> memref<!tpu.dma_semaphore, #tpu.memory_space<semaphore_mem>>
        tpu.wait_indirect_dma semaphore(%dma_wait3A_227 : memref<!tpu.dma_semaphore, #tpu.memory_space<semaphore_mem>>) src(%dma_wait3A_225 : memref<10000x128xf32, #tpu.memory_space<hbm>>) dst(%dma_wait3A_219 : memref<80x128xf32, #tpu.memory_space<vmem>>)
        %dma_start3A_228 = arith.constant 2 : i32
        %dma_start3A_229 = arith.constant 2 : i32
        %dma_start3A_230 = arith.constant 0 : i32
        %dma_start3A_231 = arith.constant 0 : i32
        %dma_start3A_232 = tpu.memref_slice %arg8[%dma_start3A_228, %dma_start3A_230, %dma_start3A_231] : memref<4x80x128xf32, #tpu.memory_space<vmem>> -> memref<1x80x128xf32, #tpu.memory_space<vmem>>
        %dma_start3A_233 = tpu.memref_squeeze %dma_start3A_232 : memref<1x80x128xf32, #tpu.memory_space<vmem>> -> memref<80x128xf32, #tpu.memory_space<vmem>>
        %dma_start3A_234 = arith.constant 0 : i32
        %dma_start3A_235 = tpu.memref_slice %arg7[%add3A_213, %dma_start3A_234] : memref<32x80xi32, #tpu.memory_space<vmem>> -> memref<1x80xi32, #tpu.memory_space<vmem>>
        %dma_start3A_236 = tpu.memref_squeeze %dma_start3A_235 : memref<1x80xi32, #tpu.memory_space<vmem>> -> memref<80xi32, #tpu.memory_space<vmem>>
        %dma_start3A_237 = arith.constant 0 : i32
        %dma_start3A_238 = arith.constant 0 : i32
        %dma_start3A_239 = tpu.memref_slice %arg9[%dma_start3A_237, %dma_start3A_238] : memref<10240x128xf32, #tpu.memory_space<vmem_shared>> -> memref<10240x128xf32, #tpu.memory_space<vmem_shared>>
        %dma_start3A_240 = tpu.memref_slice %arg11[%dma_start3A_229] : memref<4x!tpu.dma_semaphore, #tpu.memory_space<semaphore_mem>> -> memref<1x!tpu.dma_semaphore, #tpu.memory_space<semaphore_mem>>
        %dma_start3A_241 = tpu.memref_squeeze %dma_start3A_240 : memref<1x!tpu.dma_semaphore, #tpu.memory_space<semaphore_mem>> -> memref<!tpu.dma_semaphore, #tpu.memory_space<semaphore_mem>>
        tpu.enqueue_indirect_dma source(%dma_start3A_233 : memref<80x128xf32, #tpu.memory_space<vmem>>) target(%dma_start3A_239 : memref<10240x128xf32, #tpu.memory_space<vmem_shared>>) offsets(%dma_start3A_236 : memref<80xi32, #tpu.memory_space<vmem>>) semaphore(%dma_start3A_241 : memref<!tpu.dma_semaphore, #tpu.memory_space<semaphore_mem>>) {add = true}
        %gt3A_242 = arith.constant 0 : i32
        %gt3A_243 = arith.cmpi sgt, %add3A_212, %gt3A_242 : i32
        %convert_element_type3A_244 = arith.extui %gt3A_243 : i1 to i32
        %cond3A_245 = arith.constant 0 : i32
        %cond3A_246 = arith.cmpi ne, %convert_element_type3A_244, %cond3A_245 : i32
        scf.if %cond3A_246 {
          %dma_wait3A_296 = arith.constant 1 : i32
          %dma_wait3A_297 = arith.constant 0 : i32
          %dma_wait3A_298 = arith.constant 1 : i32
          %dma_wait3A_299 = arith.constant 0 : i32
          %dma_wait3A_300 = arith.constant 0 : i32
          %dma_wait3A_301 = tpu.memref_slice %arg8[%dma_wait3A_296, %dma_wait3A_299, %dma_wait3A_300] : memref<4x80x128xf32, #tpu.memory_space<vmem>> -> memref<1x80x128xf32, #tpu.memory_space<vmem>>
          %dma_wait3A_302 = tpu.memref_squeeze %dma_wait3A_301 : memref<1x80x128xf32, #tpu.memory_space<vmem>> -> memref<80x128xf32, #tpu.memory_space<vmem>>
          %dma_wait3A_303 = arith.constant 0 : i32
          %dma_wait3A_304 = tpu.memref_slice %arg7[%dma_wait3A_297, %dma_wait3A_303] : memref<32x80xi32, #tpu.memory_space<vmem>> -> memref<1x80xi32, #tpu.memory_space<vmem>>
          %dma_wait3A_305 = tpu.memref_squeeze %dma_wait3A_304 : memref<1x80xi32, #tpu.memory_space<vmem>> -> memref<80xi32, #tpu.memory_space<vmem>>
          %dma_wait3A_306 = arith.constant 0 : i32
          %dma_wait3A_307 = arith.constant 0 : i32
          %dma_wait3A_308 = tpu.memref_slice %arg9[%dma_wait3A_306, %dma_wait3A_307] : memref<10240x128xf32, #tpu.memory_space<vmem_shared>> -> memref<10240x128xf32, #tpu.memory_space<vmem_shared>>
          %dma_wait3A_309 = tpu.memref_slice %arg11[%dma_wait3A_298] : memref<4x!tpu.dma_semaphore, #tpu.memory_space<semaphore_mem>> -> memref<1x!tpu.dma_semaphore, #tpu.memory_space<semaphore_mem>>
          %dma_wait3A_310 = tpu.memref_squeeze %dma_wait3A_309 : memref<1x!tpu.dma_semaphore, #tpu.memory_space<semaphore_mem>> -> memref<!tpu.dma_semaphore, #tpu.memory_space<semaphore_mem>>
          tpu.wait_indirect_dma semaphore(%dma_wait3A_310 : memref<!tpu.dma_semaphore, #tpu.memory_space<semaphore_mem>>) src(%dma_wait3A_302 : memref<80x128xf32, #tpu.memory_space<vmem>>) dst(%dma_wait3A_308 : memref<10240x128xf32, #tpu.memory_space<vmem_shared>>)
        } else {
        }
        %lt3A_247 = arith.constant 13 : i32
        %lt3A_248 = arith.cmpi slt, %add3A_212, %lt3A_247 : i32
        %convert_element_type3A_249 = arith.extui %lt3A_248 : i1 to i32
        %cond3A_250 = arith.constant 0 : i32
        %cond3A_251 = arith.cmpi ne, %convert_element_type3A_249, %cond3A_250 : i32
        scf.if %cond3A_251 {
          %add3A_296 = arith.constant 4 : i32
          %add3A_297 = arith.addi %add3A_213, %add3A_296 : i32
          %sub3A = arith.constant 1 : i32
          %sub3A_298 = arith.subi %add3A_297, %sub3A : i32
          %dma_start3A_299 = arith.constant 1 : i32
          %dma_start3A_300 = arith.constant 1 : i32
          %dma_start3A_301 = arith.constant 0 : i32
          %dma_start3A_302 = arith.constant 0 : i32
          %dma_start3A_303 = tpu.memref_slice %arg8[%dma_start3A_299, %dma_start3A_301, %dma_start3A_302] : memref<4x80x128xf32, #tpu.memory_space<vmem>> -> memref<1x80x128xf32, #tpu.memory_space<vmem>>
          %dma_start3A_304 = tpu.memref_squeeze %dma_start3A_303 : memref<1x80x128xf32, #tpu.memory_space<vmem>> -> memref<80x128xf32, #tpu.memory_space<vmem>>
          %dma_start3A_305 = arith.constant 0 : i32
          %dma_start3A_306 = tpu.memref_slice %arg6[%sub3A_298, %dma_start3A_305] : memref<32x80xi32, #tpu.memory_space<vmem>> -> memref<1x80xi32, #tpu.memory_space<vmem>>
          %dma_start3A_307 = tpu.memref_squeeze %dma_start3A_306 : memref<1x80xi32, #tpu.memory_space<vmem>> -> memref<80xi32, #tpu.memory_space<vmem>>
          %dma_start3A_308 = arith.constant 0 : i32
          %dma_start3A_309 = arith.constant 0 : i32
          %dma_start3A_310 = tpu.memref_slice %arg4[%dma_start3A_308, %dma_start3A_309] : memref<10000x128xf32, #tpu.memory_space<hbm>> -> memref<10000x128xf32, #tpu.memory_space<hbm>>
          %dma_start3A_311 = tpu.memref_slice %arg10[%dma_start3A_300] : memref<4x!tpu.dma_semaphore, #tpu.memory_space<semaphore_mem>> -> memref<1x!tpu.dma_semaphore, #tpu.memory_space<semaphore_mem>>
          %dma_start3A_312 = tpu.memref_squeeze %dma_start3A_311 : memref<1x!tpu.dma_semaphore, #tpu.memory_space<semaphore_mem>> -> memref<!tpu.dma_semaphore, #tpu.memory_space<semaphore_mem>>
          tpu.enqueue_indirect_dma source(%dma_start3A_310 : memref<10000x128xf32, #tpu.memory_space<hbm>>) target(%dma_start3A_304 : memref<80x128xf32, #tpu.memory_space<vmem>>) offsets(%dma_start3A_307 : memref<80xi32, #tpu.memory_space<vmem>>) semaphore(%dma_start3A_312 : memref<!tpu.dma_semaphore, #tpu.memory_space<semaphore_mem>>)
        } else {
        }
        %mul3A_252 = arith.constant 4 : i32
        %mul3A_253 = arith.muli %scan3A_121, %mul3A_252 : i32
        %add3A_254 = arith.constant 3 : i32
        %add3A_255 = arith.addi %mul3A_253, %add3A_254 : i32
        %add3A_256 = arith.addi %mul3A_41, %add3A_255 : i32
        %dma_wait3A_257 = arith.constant 3 : i32
        %dma_wait3A_258 = arith.constant 3 : i32
        %dma_wait3A_259 = arith.constant 0 : i32
        %dma_wait3A_260 = arith.constant 0 : i32
        %dma_wait3A_261 = tpu.memref_slice %arg8[%dma_wait3A_257, %dma_wait3A_259, %dma_wait3A_260] : memref<4x80x128xf32, #tpu.memory_space<vmem>> -> memref<1x80x128xf32, #tpu.memory_space<vmem>>
        %dma_wait3A_262 = tpu.memref_squeeze %dma_wait3A_261 : memref<1x80x128xf32, #tpu.memory_space<vmem>> -> memref<80x128xf32, #tpu.memory_space<vmem>>
        %dma_wait3A_263 = arith.constant 0 : i32
        %dma_wait3A_264 = tpu.memref_slice %arg6[%add3A_256, %dma_wait3A_263] : memref<32x80xi32, #tpu.memory_space<vmem>> -> memref<1x80xi32, #tpu.memory_space<vmem>>
        %dma_wait3A_265 = tpu.memref_squeeze %dma_wait3A_264 : memref<1x80xi32, #tpu.memory_space<vmem>> -> memref<80xi32, #tpu.memory_space<vmem>>
        %dma_wait3A_266 = arith.constant 0 : i32
        %dma_wait3A_267 = arith.constant 0 : i32
        %dma_wait3A_268 = tpu.memref_slice %arg4[%dma_wait3A_266, %dma_wait3A_267] : memref<10000x128xf32, #tpu.memory_space<hbm>> -> memref<10000x128xf32, #tpu.memory_space<hbm>>
        %dma_wait3A_269 = tpu.memref_slice %arg10[%dma_wait3A_258] : memref<4x!tpu.dma_semaphore, #tpu.memory_space<semaphore_mem>> -> memref<1x!tpu.dma_semaphore, #tpu.memory_space<semaphore_mem>>
        %dma_wait3A_270 = tpu.memref_squeeze %dma_wait3A_269 : memref<1x!tpu.dma_semaphore, #tpu.memory_space<semaphore_mem>> -> memref<!tpu.dma_semaphore, #tpu.memory_space<semaphore_mem>>
        tpu.wait_indirect_dma semaphore(%dma_wait3A_270 : memref<!tpu.dma_semaphore, #tpu.memory_space<semaphore_mem>>) src(%dma_wait3A_268 : memref<10000x128xf32, #tpu.memory_space<hbm>>) dst(%dma_wait3A_262 : memref<80x128xf32, #tpu.memory_space<vmem>>)
        %dma_start3A_271 = arith.constant 3 : i32
        %dma_start3A_272 = arith.constant 3 : i32
        %dma_start3A_273 = arith.constant 0 : i32
        %dma_start3A_274 = arith.constant 0 : i32
        %dma_start3A_275 = tpu.memref_slice %arg8[%dma_start3A_271, %dma_start3A_273, %dma_start3A_274] : memref<4x80x128xf32, #tpu.memory_space<vmem>> -> memref<1x80x128xf32, #tpu.memory_space<vmem>>
        %dma_start3A_276 = tpu.memref_squeeze %dma_start3A_275 : memref<1x80x128xf32, #tpu.memory_space<vmem>> -> memref<80x128xf32, #tpu.memory_space<vmem>>
        %dma_start3A_277 = arith.constant 0 : i32
        %dma_start3A_278 = tpu.memref_slice %arg7[%add3A_256, %dma_start3A_277] : memref<32x80xi32, #tpu.memory_space<vmem>> -> memref<1x80xi32, #tpu.memory_space<vmem>>
        %dma_start3A_279 = tpu.memref_squeeze %dma_start3A_278 : memref<1x80xi32, #tpu.memory_space<vmem>> -> memref<80xi32, #tpu.memory_space<vmem>>
        %dma_start3A_280 = arith.constant 0 : i32
        %dma_start3A_281 = arith.constant 0 : i32
        %dma_start3A_282 = tpu.memref_slice %arg9[%dma_start3A_280, %dma_start3A_281] : memref<10240x128xf32, #tpu.memory_space<vmem_shared>> -> memref<10240x128xf32, #tpu.memory_space<vmem_shared>>
        %dma_start3A_283 = tpu.memref_slice %arg11[%dma_start3A_272] : memref<4x!tpu.dma_semaphore, #tpu.memory_space<semaphore_mem>> -> memref<1x!tpu.dma_semaphore, #tpu.memory_space<semaphore_mem>>
        %dma_start3A_284 = tpu.memref_squeeze %dma_start3A_283 : memref<1x!tpu.dma_semaphore, #tpu.memory_space<semaphore_mem>> -> memref<!tpu.dma_semaphore, #tpu.memory_space<semaphore_mem>>
        tpu.enqueue_indirect_dma source(%dma_start3A_276 : memref<80x128xf32, #tpu.memory_space<vmem>>) target(%dma_start3A_282 : memref<10240x128xf32, #tpu.memory_space<vmem_shared>>) offsets(%dma_start3A_279 : memref<80xi32, #tpu.memory_space<vmem>>) semaphore(%dma_start3A_284 : memref<!tpu.dma_semaphore, #tpu.memory_space<semaphore_mem>>) {add = true}
        %gt3A_285 = arith.constant 0 : i32
        %gt3A_286 = arith.cmpi sgt, %add3A_255, %gt3A_285 : i32
        %convert_element_type3A_287 = arith.extui %gt3A_286 : i1 to i32
        %cond3A_288 = arith.constant 0 : i32
        %cond3A_289 = arith.cmpi ne, %convert_element_type3A_287, %cond3A_288 : i32
        scf.if %cond3A_289 {
          %dma_wait3A_296 = arith.constant 2 : i32
          %dma_wait3A_297 = arith.constant 0 : i32
          %dma_wait3A_298 = arith.constant 2 : i32
          %dma_wait3A_299 = arith.constant 0 : i32
          %dma_wait3A_300 = arith.constant 0 : i32
          %dma_wait3A_301 = tpu.memref_slice %arg8[%dma_wait3A_296, %dma_wait3A_299, %dma_wait3A_300] : memref<4x80x128xf32, #tpu.memory_space<vmem>> -> memref<1x80x128xf32, #tpu.memory_space<vmem>>
          %dma_wait3A_302 = tpu.memref_squeeze %dma_wait3A_301 : memref<1x80x128xf32, #tpu.memory_space<vmem>> -> memref<80x128xf32, #tpu.memory_space<vmem>>
          %dma_wait3A_303 = arith.constant 0 : i32
          %dma_wait3A_304 = tpu.memref_slice %arg7[%dma_wait3A_297, %dma_wait3A_303] : memref<32x80xi32, #tpu.memory_space<vmem>> -> memref<1x80xi32, #tpu.memory_space<vmem>>
          %dma_wait3A_305 = tpu.memref_squeeze %dma_wait3A_304 : memref<1x80xi32, #tpu.memory_space<vmem>> -> memref<80xi32, #tpu.memory_space<vmem>>
          %dma_wait3A_306 = arith.constant 0 : i32
          %dma_wait3A_307 = arith.constant 0 : i32
          %dma_wait3A_308 = tpu.memref_slice %arg9[%dma_wait3A_306, %dma_wait3A_307] : memref<10240x128xf32, #tpu.memory_space<vmem_shared>> -> memref<10240x128xf32, #tpu.memory_space<vmem_shared>>
          %dma_wait3A_309 = tpu.memref_slice %arg11[%dma_wait3A_298] : memref<4x!tpu.dma_semaphore, #tpu.memory_space<semaphore_mem>> -> memref<1x!tpu.dma_semaphore, #tpu.memory_space<semaphore_mem>>
          %dma_wait3A_310 = tpu.memref_squeeze %dma_wait3A_309 : memref<1x!tpu.dma_semaphore, #tpu.memory_space<semaphore_mem>> -> memref<!tpu.dma_semaphore, #tpu.memory_space<semaphore_mem>>
          tpu.wait_indirect_dma semaphore(%dma_wait3A_310 : memref<!tpu.dma_semaphore, #tpu.memory_space<semaphore_mem>>) src(%dma_wait3A_302 : memref<80x128xf32, #tpu.memory_space<vmem>>) dst(%dma_wait3A_308 : memref<10240x128xf32, #tpu.memory_space<vmem_shared>>)
        } else {
        }
        %lt3A_290 = arith.constant 13 : i32
        %lt3A_291 = arith.cmpi slt, %add3A_255, %lt3A_290 : i32
        %convert_element_type3A_292 = arith.extui %lt3A_291 : i1 to i32
        %cond3A_293 = arith.constant 0 : i32
        %cond3A_294 = arith.cmpi ne, %convert_element_type3A_292, %cond3A_293 : i32
        scf.if %cond3A_294 {
          %add3A_296 = arith.constant 4 : i32
          %add3A_297 = arith.addi %add3A_256, %add3A_296 : i32
          %sub3A = arith.constant 1 : i32
          %sub3A_298 = arith.subi %add3A_297, %sub3A : i32
          %dma_start3A_299 = arith.constant 2 : i32
          %dma_start3A_300 = arith.constant 2 : i32
          %dma_start3A_301 = arith.constant 0 : i32
          %dma_start3A_302 = arith.constant 0 : i32
          %dma_start3A_303 = tpu.memref_slice %arg8[%dma_start3A_299, %dma_start3A_301, %dma_start3A_302] : memref<4x80x128xf32, #tpu.memory_space<vmem>> -> memref<1x80x128xf32, #tpu.memory_space<vmem>>
          %dma_start3A_304 = tpu.memref_squeeze %dma_start3A_303 : memref<1x80x128xf32, #tpu.memory_space<vmem>> -> memref<80x128xf32, #tpu.memory_space<vmem>>
          %dma_start3A_305 = arith.constant 0 : i32
          %dma_start3A_306 = tpu.memref_slice %arg6[%sub3A_298, %dma_start3A_305] : memref<32x80xi32, #tpu.memory_space<vmem>> -> memref<1x80xi32, #tpu.memory_space<vmem>>
          %dma_start3A_307 = tpu.memref_squeeze %dma_start3A_306 : memref<1x80xi32, #tpu.memory_space<vmem>> -> memref<80xi32, #tpu.memory_space<vmem>>
          %dma_start3A_308 = arith.constant 0 : i32
          %dma_start3A_309 = arith.constant 0 : i32
          %dma_start3A_310 = tpu.memref_slice %arg4[%dma_start3A_308, %dma_start3A_309] : memref<10000x128xf32, #tpu.memory_space<hbm>> -> memref<10000x128xf32, #tpu.memory_space<hbm>>
          %dma_start3A_311 = tpu.memref_slice %arg10[%dma_start3A_300] : memref<4x!tpu.dma_semaphore, #tpu.memory_space<semaphore_mem>> -> memref<1x!tpu.dma_semaphore, #tpu.memory_space<semaphore_mem>>
          %dma_start3A_312 = tpu.memref_squeeze %dma_start3A_311 : memref<1x!tpu.dma_semaphore, #tpu.memory_space<semaphore_mem>> -> memref<!tpu.dma_semaphore, #tpu.memory_space<semaphore_mem>>
          tpu.enqueue_indirect_dma source(%dma_start3A_310 : memref<10000x128xf32, #tpu.memory_space<hbm>>) target(%dma_start3A_304 : memref<80x128xf32, #tpu.memory_space<vmem>>) offsets(%dma_start3A_307 : memref<80xi32, #tpu.memory_space<vmem>>) semaphore(%dma_start3A_312 : memref<!tpu.dma_semaphore, #tpu.memory_space<semaphore_mem>>)
        } else {
        }
        %scan3A_295 = arith.constant 0 : i32
        scf.yield %scan3A_295 : i32
      }
      %scan3A_100 = arith.constant 4 : i32
      %dma_wait3A = arith.constant 3 : i32
      %dma_wait3A_101 = arith.constant 0 : i32
      %dma_wait3A_102 = arith.constant 3 : i32
      %dma_wait3A_103 = arith.constant 0 : i32
      %dma_wait3A_104 = arith.constant 0 : i32
      %dma_wait3A_105 = tpu.memref_slice %arg8[%dma_wait3A, %dma_wait3A_103, %dma_wait3A_104] : memref<4x80x128xf32, #tpu.memory_space<vmem>> -> memref<1x80x128xf32, #tpu.memory_space<vmem>>
      %dma_wait3A_106 = tpu.memref_squeeze %dma_wait3A_105 : memref<1x80x128xf32, #tpu.memory_space<vmem>> -> memref<80x128xf32, #tpu.memory_space<vmem>>
      %dma_wait3A_107 = arith.constant 0 : i32
      %dma_wait3A_108 = tpu.memref_slice %arg7[%dma_wait3A_101, %dma_wait3A_107] : memref<32x80xi32, #tpu.memory_space<vmem>> -> memref<1x80xi32, #tpu.memory_space<vmem>>
      %dma_wait3A_109 = tpu.memref_squeeze %dma_wait3A_108 : memref<1x80xi32, #tpu.memory_space<vmem>> -> memref<80xi32, #tpu.memory_space<vmem>>
      %dma_wait3A_110 = arith.constant 0 : i32
      %dma_wait3A_111 = arith.constant 0 : i32
      %dma_wait3A_112 = tpu.memref_slice %arg9[%dma_wait3A_110, %dma_wait3A_111] : memref<10240x128xf32, #tpu.memory_space<vmem_shared>> -> memref<10240x128xf32, #tpu.memory_space<vmem_shared>>
      %dma_wait3A_113 = tpu.memref_slice %arg11[%dma_wait3A_102] : memref<4x!tpu.dma_semaphore, #tpu.memory_space<semaphore_mem>> -> memref<1x!tpu.dma_semaphore, #tpu.memory_space<semaphore_mem>>
      %dma_wait3A_114 = tpu.memref_squeeze %dma_wait3A_113 : memref<1x!tpu.dma_semaphore, #tpu.memory_space<semaphore_mem>> -> memref<!tpu.dma_semaphore, #tpu.memory_space<semaphore_mem>>
      tpu.wait_indirect_dma semaphore(%dma_wait3A_114 : memref<!tpu.dma_semaphore, #tpu.memory_space<semaphore_mem>>) src(%dma_wait3A_106 : memref<80x128xf32, #tpu.memory_space<vmem>>) dst(%dma_wait3A_112 : memref<10240x128xf32, #tpu.memory_space<vmem_shared>>)
      %add3A_115 = arith.constant 2 : i32
      %add3A_116 = arith.addi %while3A_37, %add3A_115 : i32
      %lt3A = arith.cmpi slt, %add3A_116, %select_n3A_14 : i32
      %convert_element_type3A_117 = arith.extui %lt3A : i1 to i32
      %cond3A_118 = arith.constant 0 : i32
      %cond3A_119 = arith.cmpi ne, %convert_element_type3A_117, %cond3A_118 : i32
      scf.if %cond3A_119 {
        %add3A_121 = arith.constant 2 : i32
        %add3A_122 = arith.addi %while3A_37, %add3A_121 : i32
        %mul3A_123 = arith.constant 16 : i32
        %mul3A_124 = arith.muli %add3A_122, %mul3A_123 : i32
        %add3A_125 = arith.addi %select_n3A, %mul3A_124 : i32
        %dma_start3A_126 = arith.constant 0 : i32
        %dma_start3A_127 = arith.constant 0 : i32
        %dma_start3A_128 = tpu.memref_slice %arg6[%mul3A_41, %dma_start3A_127] : memref<32x80xi32, #tpu.memory_space<vmem>> -> memref<16x80xi32, #tpu.memory_space<vmem>>
        %dma_start3A_129 = arith.constant 0 : i32
        %dma_start3A_130 = tpu.memref_slice %arg2[%dma_start3A_126, %add3A_125, %dma_start3A_129] : memref<2x4096x80xi32, #tpu.memory_space<hbm>> -> memref<1x16x80xi32, #tpu.memory_space<hbm>>
        %dma_start3A_131 = tpu.memref_squeeze %dma_start3A_130 : memref<1x16x80xi32, #tpu.memory_space<hbm>> -> memref<16x80xi32, #tpu.memory_space<hbm>>
        %dma_start3A_132 = arith.constant 0 : i32
        %dma_start3A_133 = tpu.memref_slice %arg6[%mul3A_41, %dma_start3A_132] : memref<32x80xi32, #tpu.memory_space<vmem>> -> memref<16x80xi32, #tpu.memory_space<vmem>>
        %dma_start3A_134 = arith.constant 0 : i32
        %dma_start3A_135 = tpu.memref_slice %arg2[%dma_start3A_126, %add3A_125, %dma_start3A_134] : memref<2x4096x80xi32, #tpu.memory_space<hbm>> -> memref<1x16x80xi32, #tpu.memory_space<hbm>>
        %dma_start3A_136 = tpu.memref_squeeze %dma_start3A_135 : memref<1x16x80xi32, #tpu.memory_space<hbm>> -> memref<16x80xi32, #tpu.memory_space<hbm>>
        tpu.enqueue_dma source(%dma_start3A_136 : memref<16x80xi32, #tpu.memory_space<hbm>>) target(%dma_start3A_133 : memref<16x80xi32, #tpu.memory_space<vmem>>) target_semaphore(%arg12 : memref<!tpu.dma_semaphore, #tpu.memory_space<semaphore_mem>>)
        %dma_start3A_137 = arith.constant 1 : i32
        %dma_start3A_138 = arith.constant 0 : i32
        %dma_start3A_139 = tpu.memref_slice %arg7[%mul3A_41, %dma_start3A_138] : memref<32x80xi32, #tpu.memory_space<vmem>> -> memref<16x80xi32, #tpu.memory_space<vmem>>
        %dma_start3A_140 = arith.constant 0 : i32
        %dma_start3A_141 = tpu.memref_slice %arg2[%dma_start3A_137, %add3A_125, %dma_start3A_140] : memref<2x4096x80xi32, #tpu.memory_space<hbm>> -> memref<1x16x80xi32, #tpu.memory_space<hbm>>
        %dma_start3A_142 = tpu.memref_squeeze %dma_start3A_141 : memref<1x16x80xi32, #tpu.memory_space<hbm>> -> memref<16x80xi32, #tpu.memory_space<hbm>>
        %dma_start3A_143 = arith.constant 0 : i32
        %dma_start3A_144 = tpu.memref_slice %arg7[%mul3A_41, %dma_start3A_143] : memref<32x80xi32, #tpu.memory_space<vmem>> -> memref<16x80xi32, #tpu.memory_space<vmem>>
        %dma_start3A_145 = arith.constant 0 : i32
        %dma_start3A_146 = tpu.memref_slice %arg2[%dma_start3A_137, %add3A_125, %dma_start3A_145] : memref<2x4096x80xi32, #tpu.memory_space<hbm>> -> memref<1x16x80xi32, #tpu.memory_space<hbm>>
        %dma_start3A_147 = tpu.memref_squeeze %dma_start3A_146 : memref<1x16x80xi32, #tpu.memory_space<hbm>> -> memref<16x80xi32, #tpu.memory_space<hbm>>
        tpu.enqueue_dma source(%dma_start3A_147 : memref<16x80xi32, #tpu.memory_space<hbm>>) target(%dma_start3A_144 : memref<16x80xi32, #tpu.memory_space<vmem>>) target_semaphore(%arg12 : memref<!tpu.dma_semaphore, #tpu.memory_space<semaphore_mem>>)
      } else {
      }
      %while3A_120 = arith.constant 0 : i32
      scf.yield %while3A_120 : i32
    }
    %barrier3A_29 = arith.constant 0 : index
    tpu.barrier barrier_id(%barrier3A_29)
    "tpu.trace_stop"() : () -> ()
    "tpu.trace_start"() <{level = 10 : i32, message = "writeout"}> : () -> ()
    %scan3A_30 = arith.constant 0 : i32
    %scan3A_31 = arith.constant 0 : i32
    %scan3A_32 = arith.constant 8 : i32
    %scan3A_33 = arith.addi %scan3A_31, %scan3A_32 : i32
    %scan3A_34 = arith.constant 1 : i32
    %scan3A_35 = scf.for %scan3A_37 = %scan3A_31 to %scan3A_33 step %scan3A_34 iter_args(%scan3A_38 = %scan3A_30) -> (i32)  : i32 {
      %mul3A_39 = arith.constant 640 : i32
      %mul3A_40 = arith.muli %arg1, %mul3A_39 : i32
      %mul3A_41 = arith.constant 80 : i32
      %mul3A_42 = arith.muli %scan3A_37, %mul3A_41 : i32
      %add3A_43 = arith.addi %mul3A_40, %mul3A_42 : i32
      "tpu.region"() ({
        %run_scoped3A_45 = tpu.sem_alloc : memref<!tpu.dma_semaphore, #tpu.memory_space<semaphore_mem>>
        %dma_start3A = arith.constant 0 : i32
        %dma_start3A_46 = tpu.memref_slice %arg5[%arg0, %add3A_43, %dma_start3A] : memref<2x10240x128xf32, #tpu.memory_space<hbm>> -> memref<1x80x128xf32, #tpu.memory_space<hbm>>
        %dma_start3A_47 = tpu.memref_squeeze %dma_start3A_46 : memref<1x80x128xf32, #tpu.memory_space<hbm>> -> memref<80x128xf32, #tpu.memory_space<hbm>>
        %dma_start3A_48 = arith.constant 0 : i32
        %dma_start3A_49 = tpu.memref_slice %arg9[%add3A_43, %dma_start3A_48] : memref<10240x128xf32, #tpu.memory_space<vmem_shared>> -> memref<80x128xf32, #tpu.memory_space<vmem_shared>>
        tpu.enqueue_dma source(%dma_start3A_49 : memref<80x128xf32, #tpu.memory_space<vmem_shared>>) target(%dma_start3A_47 : memref<80x128xf32, #tpu.memory_space<hbm>>) target_semaphore(%run_scoped3A_45 : memref<!tpu.dma_semaphore, #tpu.memory_space<semaphore_mem>>)
        %dma_wait3A = arith.constant 0 : i32
        %dma_wait3A_50 = tpu.memref_slice %arg5[%arg0, %add3A_43, %dma_wait3A] : memref<2x10240x128xf32, #tpu.memory_space<hbm>> -> memref<1x80x128xf32, #tpu.memory_space<hbm>>
        %dma_wait3A_51 = tpu.memref_squeeze %dma_wait3A_50 : memref<1x80x128xf32, #tpu.memory_space<hbm>> -> memref<80x128xf32, #tpu.memory_space<hbm>>
        %dma_wait3A_52 = arith.constant 0 : i32
        %dma_wait3A_53 = tpu.memref_slice %arg9[%add3A_43, %dma_wait3A_52] : memref<10240x128xf32, #tpu.memory_space<vmem_shared>> -> memref<80x128xf32, #tpu.memory_space<vmem_shared>>
        tpu.wait_dma2 semaphore(%run_scoped3A_45 : memref<!tpu.dma_semaphore, #tpu.memory_space<semaphore_mem>>) src(%dma_wait3A_53 : memref<80x128xf32, #tpu.memory_space<vmem_shared>>) dst(%dma_wait3A_51 : memref<80x128xf32, #tpu.memory_space<hbm>>)
        tpu.yield
      }) : () -> ()
      %scan3A_44 = arith.constant 0 : i32
      scf.yield %scan3A_44 : i32
    }
    %scan3A_36 = arith.constant 8 : i32
    "tpu.trace_stop"() : () -> ()
    return
  }
}

module attributes {stable_mosaic.version = 14 : i64} {
  func.func @body(%arg0: i32, %arg1: memref<1x1xf32, #tpu.memory_space<smem>>, %arg2: memref<2000x128xf32, #tpu.memory_space<vmem>>, %arg3: memref<1x2000x128xf32, #tpu.memory_space<vmem>>, %arg4: memref<1x2000x128xf32, #tpu.memory_space<vmem>>, %arg5: memref<128x128xf32, #tpu.memory_space<vmem>>, %arg6: memref<1x128xf32, #tpu.memory_space<vmem>>, %arg7: memref<128x128xf32, #tpu.memory_space<vmem>>, %arg8: memref<1x128xf32, #tpu.memory_space<vmem>>, %arg9: memref<2000x128xf32, #tpu.memory_space<vmem>>) attributes {dimension_semantics = [#tpu.dimension_semantics<arbitrary>], iteration_bounds = array<i64: 5>, scalar_prefetch = 0 : i64, scratch_operands = 0 : i64, tpu.core_type = #tpu.core_type<tc>, window_params = [{transform_indices = @transform_0, window_bounds = array<i64: 1, 1>}, {transform_indices = @transform_1, window_bounds = array<i64: 2000, 128>}, {transform_indices = @transform_2, window_bounds = array<i64: 1, 2000, 128>}, {transform_indices = @transform_3, window_bounds = array<i64: 1, 2000, 128>}, {pipeline_mode = #tpu.pipeline_mode<synchronous>, transform_indices = @transform_4, window_bounds = array<i64: 128, 128>}, {pipeline_mode = #tpu.pipeline_mode<synchronous>, transform_indices = @transform_5, window_bounds = array<i64: 1, 128>}, {pipeline_mode = #tpu.pipeline_mode<synchronous>, transform_indices = @transform_6, window_bounds = array<i64: 128, 128>}, {pipeline_mode = #tpu.pipeline_mode<synchronous>, transform_indices = @transform_7, window_bounds = array<i64: 1, 128>}, {transform_indices = @transform_8, window_bounds = array<i64: 2000, 128>}]} {
    %get3A = arith.constant 0 : index
    %get3A_0 = arith.constant 0 : index
    %get3A_1 = memref.load %arg1[%get3A, %get3A_0] : memref<1x1xf32, #tpu.memory_space<smem>>
    %add3A = arith.constant 1.000000e+00 : f32
    %add3A_2 = arith.addf %add3A, %get3A_1 : f32
    %get3A_3 = arith.constant 0 : index
    %get3A_4 = arith.constant 0 : index
    %get3A_5 = vector.load %arg2[%get3A_3, %get3A_4] : memref<2000x128xf32, #tpu.memory_space<vmem>>, vector<2000x128xf32>
    %mul3A = vector.broadcast %add3A_2 : f32 to vector<2000x128xf32>
    %mul3A_6 = arith.mulf %mul3A, %get3A_5 : vector<2000x128xf32>
    %get3A_7 = arith.constant 0 : index
    %get3A_8 = arith.constant 0 : index
    %get3A_9 = arith.constant 0 : index
    %get3A_10 = vector.load %arg3[%get3A_7, %get3A_8, %get3A_9] : memref<1x2000x128xf32, #tpu.memory_space<vmem>>, vector<1x2000x128xf32>
    %get3A_11 = vector.shape_cast %get3A_10 : vector<1x2000x128xf32> to vector<2000x128xf32>
    %add3A_12 = arith.addf %mul3A_6, %get3A_11 : vector<2000x128xf32>
    %get3A_13 = arith.constant 0 : index
    %get3A_14 = arith.constant 0 : index
    %get3A_15 = arith.constant 0 : index
    %get3A_16 = vector.load %arg4[%get3A_13, %get3A_14, %get3A_15] : memref<1x2000x128xf32, #tpu.memory_space<vmem>>, vector<1x2000x128xf32>
    %get3A_17 = vector.shape_cast %get3A_16 : vector<1x2000x128xf32> to vector<2000x128xf32>
    %add3A_18 = arith.addf %add3A_12, %get3A_17 : vector<2000x128xf32>
    %get3A_19 = arith.constant 0 : index
    %get3A_20 = arith.constant 0 : index
    %get3A_21 = vector.load %arg5[%get3A_19, %get3A_20] : memref<128x128xf32, #tpu.memory_space<vmem>>, vector<128x128xf32>
    %dot_general3A = arith.constant dense<0.000000e+00> : vector<2000x128xf32>
    %dot_general3A_22 = tpu.matmul %add3A_18, %get3A_21, %dot_general3A {dimension_numbers = #tpu.dot_dimension_numbers<[1], [0], [0], [1], [0, 0, 1, 1], [], []>, transpose_lhs_hint = false} : vector<2000x128xf32>, vector<128x128xf32>, vector<2000x128xf32> -> vector<2000x128xf32>
    %get3A_23 = arith.constant 0 : index
    %get3A_24 = arith.constant 0 : index
    %get3A_25 = vector.load %arg6[%get3A_23, %get3A_24] : memref<1x128xf32, #tpu.memory_space<vmem>>, vector<1x128xf32>
    %add3A_26 = vector.broadcast %get3A_25 : vector<1x128xf32> to vector<2000x128xf32>
    %add3A_27 = arith.addf %dot_general3A_22, %add3A_26 : vector<2000x128xf32>
    %max3A = arith.constant 0.000000e+00 : f32
    %max3A_28 = vector.broadcast %max3A : f32 to vector<2000x128xf32>
    %max3A_29 = arith.maximumf %add3A_27, %max3A_28 : vector<2000x128xf32>
    %get3A_30 = arith.constant 0 : index
    %get3A_31 = arith.constant 0 : index
    %get3A_32 = vector.load %arg7[%get3A_30, %get3A_31] : memref<128x128xf32, #tpu.memory_space<vmem>>, vector<128x128xf32>
    %dot_general3A_33 = arith.constant dense<0.000000e+00> : vector<2000x128xf32>
    %dot_general3A_34 = tpu.matmul %max3A_29, %get3A_32, %dot_general3A_33 {dimension_numbers = #tpu.dot_dimension_numbers<[1], [0], [0], [1], [0, 0, 1, 1], [], []>, transpose_lhs_hint = false} : vector<2000x128xf32>, vector<128x128xf32>, vector<2000x128xf32> -> vector<2000x128xf32>
    %get3A_35 = arith.constant 0 : index
    %get3A_36 = arith.constant 0 : index
    %get3A_37 = vector.load %arg8[%get3A_35, %get3A_36] : memref<1x128xf32, #tpu.memory_space<vmem>>, vector<1x128xf32>
    %add3A_38 = vector.broadcast %get3A_37 : vector<1x128xf32> to vector<2000x128xf32>
    %add3A_39 = arith.addf %dot_general3A_34, %add3A_38 : vector<2000x128xf32>
    %swap3A = arith.constant 0 : index
    %swap3A_40 = arith.constant 0 : index
    %swap3A_41 = vector.load %arg9[%swap3A, %swap3A_40] : memref<2000x128xf32, #tpu.memory_space<vmem>>, vector<2000x128xf32>
    tpu.vector_store %arg9[%swap3A, %swap3A_40], %add3A_39 {strides = array<i32>} : memref<2000x128xf32, #tpu.memory_space<vmem>>, vector<2000x128xf32>,
    return
  }
  func.func @transform_0(%arg0: i32) -> (i32, i32) {
    %c0_i32 = arith.constant 0 : i32
    %c0_i32_0 = arith.constant 0 : i32
    %c0_i32_1 = arith.constant 0 : i32
    return %c0_i32, %c0_i32_0 : i32, i32
  }
  func.func @transform_1(%arg0: i32) -> (i32, i32) {
    %c0_i32 = arith.constant 0 : i32
    %c0_i32_0 = arith.constant 0 : i32
    return %arg0, %c0_i32 : i32, i32
  }
  func.func @transform_2(%arg0: i32) -> (i32, i32, i32) {
    %c0_i32 = arith.constant 0 : i32
    %c0_i32_0 = arith.constant 0 : i32
    %c0_i32_1 = arith.constant 0 : i32
    return %c0_i32, %arg0, %c0_i32_0 : i32, i32, i32
  }
  func.func @transform_3(%arg0: i32) -> (i32, i32, i32) {
    %c1_i32 = arith.constant 1 : i32
    %c0_i32 = arith.constant 0 : i32
    %c0_i32_0 = arith.constant 0 : i32
    return %c1_i32, %arg0, %c0_i32 : i32, i32, i32
  }
  func.func @transform_4(%arg0: i32) -> (i32, i32) {
    %c0_i32 = arith.constant 0 : i32
    %c0_i32_0 = arith.constant 0 : i32
    %c0_i32_1 = arith.constant 0 : i32
    return %c0_i32, %c0_i32_0 : i32, i32
  }
  func.func @transform_5(%arg0: i32) -> (i32, i32) {
    %c0_i32 = arith.constant 0 : i32
    %c0_i32_0 = arith.constant 0 : i32
    %c0_i32_1 = arith.constant 0 : i32
    return %c0_i32, %c0_i32_0 : i32, i32
  }
  func.func @transform_6(%arg0: i32) -> (i32, i32) {
    %c0_i32 = arith.constant 0 : i32
    %c0_i32_0 = arith.constant 0 : i32
    %c0_i32_1 = arith.constant 0 : i32
    return %c0_i32, %c0_i32_0 : i32, i32
  }
  func.func @transform_7(%arg0: i32) -> (i32, i32) {
    %c0_i32 = arith.constant 0 : i32
    %c0_i32_0 = arith.constant 0 : i32
    %c0_i32_1 = arith.constant 0 : i32
    return %c0_i32, %c0_i32_0 : i32, i32
  }
  func.func @transform_8(%arg0: i32) -> (i32, i32) {
    %c0_i32 = arith.constant 0 : i32
    %c0_i32_0 = arith.constant 0 : i32
    return %arg0, %c0_i32 : i32, i32
  }
}

</mosaic_0001>

<sc_bundles>
// kernel: kernel.4.cloned.1.call-start
scs
__scs_entry_jumppad:
0x0: {  	(pc) =	sbr.rel $0x88, $3  }
0x1: {  	(tag) =	ssettag $0x0;
	lr =	simm.s32 $0x1  }
0x2: {  	[smem:$0x3F9A] =	sst lr;
	_ =	strace $0xD0000000  }
0x3: {  	_ = 	snop  }
0x4: {  	_ = 	snop  }
0x5: {  	_ = 	snop  }
0x6: {  	_ = 	snop  }
0x7: {  	_ = 	snop  }
__scs_overlays_trampoline_lowered:
0x8: {  	[smem:$0x3FA9] =	sst s0  }
0x9: {  	[smem:$0x3FAA] =	sst s1  }
0xa: {  	[smem:$0x3FAB] =	sst s2  }
0xb: {  	[smem:$0x3FAC] =	sst s3  }
0xc: {  	[smem:$0x3FAD] =	sst s4  }
0xd: {  	[smem:$0x3FAE] =	sst s5  }
0xe: {  	[smem:$0x3FAF] =	sst s6  }
0xf: {  	[smem:$0x3FB0] =	sst s7  }
0x10: {  	[smem:$0x3FB1] =	sst s8  }
0x11: {  	[smem:$0x3FB2] =	sst s9;
	s0 =	simm.s32 @!p0 $0x0  }
0x12: {  	s1 =	sld [smem:$0x3F98];
	s0 =	simm.s32 @p0 $0x1  }
0x13: {  	[smem:$0x3FB3] =	sst s0;
	s0 =	simm.s32 @!p1 $0x0  }
0x14: {  	s2 =	sld [smem:$0x3F97];
	s0 =	simm.s32 @p1 $0x1  }
0x15: {  	[smem:$0x3FB4] =	sst s0;
	s0 =	simm.s32 @!p2 $0x0  }
0x16: {  	s3 =	sld [smem:$0x3FDB];
	s0 =	simm.s32 @p2 $0x1  }
0x17: {  	s4 =	simm.s32 $0x1BF5;
	[smem:$0x3FB6] =	sst s0  }
0x18: {  	s0 =	sld [smem:$0x3F99];
	_ =	swait.ge [sflag:s4], $0x0  }
0x19: {  	s7 =	sld [smem:$0x3F9A]  }
0x1a: {  	s8 =	sadd.s32 $0xFFFFE003, lr  }
0x1b: {  	s9 =	sadd.s32 $0xFFFFFEF7, lr;
	s5 =	simm.s32 $0xFFFFFFFF;
	p2 =	slt.u32 s8, $0xFFFFF086  }
0x1c: {  	p1 =	slt.u32 s9, $0xF7A;
	s5 =	simm.s32 @!p2 $0x0  }
0x1d: {  	s5 =	simm.s32 @p1 $0x1;
	p0 =	seq.s32 s7, s2  }
0x1e: {  	s7 =	smul.u32 @!p0 $0xF7A, s2;
	p2 =	seq.s32 @!p0 s5, $0x0  }
0x1f: {  	s9 =	smul.u32 $0xF7A, s1;
	s8 =	simm.s32 @!p0 $0x1BF5;
	p2 =	por !p2, p0  }
0x20: {  	[sflag:s8] =	ssyncset.s32 @!p0 $0xFFFFF086;
	s6 =	sadd.s32 @!p0 s3, s7;
	s7 =	simm.s32 @!p0 $0x108  }
0x21: {  	s3 =	sadd.s32 s3, s9;
	s6 =	sadd.s32 @!p0 $0x88, s6;
	s7 =	simm.s32 @p2 $0x1082  }
0x22: {  	[simem:s7], [sflag:s8] =	dma.local @!p0 [hbm:s6], $0xF7A  }
0x23: {  	s9 =	sor.u32 $0xD0000000, s2;
	s6 =	simm.s32 $0x108;
	_ =	swait.ge @!p0 [sflag:s8], $0x0  }
0x24: {  	s3 =	sadd.s32 $0x88, s3;
	s6 =	simm.s32 @!p1 $0x1082;
	[sflag:s4] =	ssyncset.s32 $0xFFFFF086  }
0x25: {  	[simem:s6], [sflag:s4] =	dma.local [hbm:s3], $0xF7A  }
0x26: {  	[smem:$0x3F9A] =	sst s1;
	(tag) =	ssettag s2;
	_ =	strace s9  }
0x27: {  	s1 =	sld [smem:$0x3FAA]  }
0x28: {  	s2 =	sld [smem:$0x3FAB]  }
0x29: {  	s4 =	sld [smem:$0x3FAD]  }
0x2a: {  	p0 =	seq.s32 s5, $0x0;
	s5 =	sld [smem:$0x3FAE]  }
0x2b: {  	s6 =	sld [smem:$0x3FAF]  }
0x2c: {  	s7 =	sld [smem:$0x3FB0]  }
0x2d: {  	s3 =	simm.s32 $0x108;
	s8 =	sld [smem:$0x3FB1]  }
0x2e: {  	s3 =	simm.s32 @!p0 $0x1082;
	s9 =	sld [smem:$0x3FB2]  }
0x2f: {  	lr =	sadd.s32 s0, s3;
	s0 =	sld [smem:$0x3FA9]  }
0x30: {  	s3 =	sld [smem:$0x3FAC]  }
0x31: {  	[smem:$0x3FB5] =	sst s10  }
0x32: {  	s10 =	sld [smem:$0x3FB3];
	_ =	sdelay $0x3  }
0x33: {  	p0 =	seq.s32 s10, $0x1;
	s10 =	sld [smem:$0x3FB5];
	_ =	sdelay $0x3  }
0x34: {  	[smem:$0x3FB5] =	sst s10  }
0x35: {  	s10 =	sld [smem:$0x3FB4];
	_ =	sdelay $0x3  }
0x36: {  	p1 =	seq.s32 s10, $0x1;
	s10 =	sld [smem:$0x3FB5];
	_ =	sdelay $0x3  }
0x37: {  	[smem:$0x3FB5] =	sst s10  }
0x38: {  	s10 =	sld [smem:$0x3FB6]  }
0x39: {  	_ = 	snop;
	(pc) =	sbr.ind lr, $3  }
0x3a: {  	_ = 	snop  }
0x3b: {  	_ = 	snop  }
0x3c: {  	p2 =	seq.s32 s10, $0x1;
	s10 =	sld [smem:$0x3FB5]  }
0x3d: {  	_ =	shalt  }
0x3e: {  	_ =	shalt  }
0x3f: {  	_ =	shalt  }
0x40: {  	_ =	shalt  }
0x41: {  	_ =	shalt  }
0x42: {  	_ =	shalt  }
0x43: {  	_ =	shalt  }
0x44: {  	_ =	shalt  }
0x45: {  	_ =	shalt  }
0x46: {  	_ =	shalt  }
0x47: {  	_ =	shalt  }
0x48: {  	_ =	shalt  }
0x49: {  	_ =	shalt  }
0x4a: {  	_ =	shalt  }
0x4b: {  	_ =	shalt  }
0x4c: {  	_ =	shalt  }
0x4d: {  	_ =	shalt  }
0x4e: {  	_ =	shalt  }
0x4f: {  	_ =	shalt  }
0x50: {  	_ =	shalt  }
0x51: {  	_ =	shalt  }
0x52: {  	_ =	shalt  }
0x53: {  	_ =	shalt  }
0x54: {  	_ =	shalt  }
0x55: {  	_ =	shalt  }
0x56: {  	_ =	shalt  }
0x57: {  	_ =	shalt  }
0x58: {  	_ =	shalt  }
0x59: {  	_ =	shalt  }
0x5a: {  	_ =	shalt  }
0x5b: {  	_ =	shalt  }
0x5c: {  	_ =	shalt  }
0x5d: {  	_ =	shalt  }
0x5e: {  	_ =	shalt  }
0x5f: {  	_ =	shalt  }
0x60: {  	_ =	shalt  }
0x61: {  	_ =	shalt  }
0x62: {  	_ =	shalt  }
0x63: {  	_ =	shalt  }
0x64: {  	_ =	shalt  }
0x65: {  	_ =	shalt  }
0x66: {  	_ =	shalt  }
0x67: {  	_ =	shalt  }
0x68: {  	_ =	shalt  }
0x69: {  	_ =	shalt  }
0x6a: {  	_ =	shalt  }
0x6b: {  	_ =	shalt  }
0x6c: {  	_ =	shalt  }
0x6d: {  	_ =	shalt  }
0x6e: {  	_ =	shalt  }
0x6f: {  	_ =	shalt  }
0x70: {  	_ =	shalt  }
0x71: {  	_ =	shalt  }
0x72: {  	_ =	shalt  }
0x73: {  	_ =	shalt  }
0x74: {  	_ =	shalt  }
0x75: {  	_ =	shalt  }
0x76: {  	_ =	shalt  }
0x77: {  	_ =	shalt  }
0x78: {  	_ =	shalt  }
0x79: {  	_ =	shalt  }
0x7a: {  	_ =	shalt  }
0x7b: {  	_ =	shalt  }
0x7c: {  	_ =	shalt  }
0x7d: {  	_ =	shalt  }
0x7e: {  	_ =	shalt  }
0x7f: {  	_ =	shalt  }
0x80: {  	_ =	shalt  }
0x81: {  	_ =	shalt  }
0x82: {  	_ =	shalt  }
0x83: {  	_ =	shalt  }
0x84: {  	_ =	shalt  }
0x85: {  	_ =	shalt  }
0x86: {  	_ =	shalt  }
0x87: {  	_ =	shalt  }
.Lfunc_end0:
.L_simem_size_0:
called_computation_lowered:
.L_overlay_start_0:
0x88: {  	s2 =	sld [smem:$0x3FD9]  }
0x89: {  	s3 =	sld [smem:$0x3FFE];
	_ =	sdelay $0x1  }
0x8a: {  	s1 =	srdreg.scid  }
0x8b: {  	s0 =	sand.u32 $0x1, s1  }
0x8c: {  	s17 =	sshll.u32 s0, $0xA;
	s2 =	sadd.s32 s3, s2  }
0x8d: {  	s2 =	sadd.s32 s2, s17  }
0x8e: {  	[smem:$0x3FC1] =	sst s2  }
0x8f: {  	_ = 	snop  }
0x90: {  	s2 =	sld [smem:$0x3FC9]  }
0x91: {  	s18 =	sld [smem:$0x3FD0];
	(tm) =	ssettm $0x1  }
0x92: {  	s4 =	sld [smem:$0x3FFB];
	_ =	sdelay $0x3  }
0x93: {  	_ =	strace s4  }
0x94: {  	s4 =	sld [smem:$0x3FFC];
	_ =	sdelay $0x3  }
0x95: {  	_ =	strace s4  }
0x96: {  	s4 =	sld [smem:$0x3FFD];
	_ =	sdelay $0x3  }
0x97: {  	_ =	strace s4  }
0x98: {  	_ =	strace $0x8FFFFFFF  }
0x99: {  	s19 =	sld [smem:$0x3FDB];
	_ =	sdelay $0x1  }
0x9a: {  	s5 =	simm.s32 $_scs_section_size  }
0x9b: {  	s6 =	simm.s32 $_size__tile_overlayer_lowered;
	s7 =	simm.s32 $_tile_overlayer_lowered  }
0x9c: {  	s22 =	simm.s32 $0x1BFF;
	s21 =	sshll.u32 s7, $0x1;
	s4 =	sadd.s32 s5, s19  }
0x9d: {  	s8 =	simm.s32 $0x0;
	s20 =	sshll.u32 s6, $0x1;
	s6 =	sadd.s32 s21, s4  }
0x9e: {  	[timem:s8], [sflag:s22] =	dma.local [hbm:s6], s20  }
0x9f: {  	_ =	swait.ge [sflag:s22], s20  }
0xa0: {  	s5 =	ssub.s32 $0x0, s20;
	[sflag:s22] =	ssyncset.done $0x0  }
0xa1: {  	[sflag:s22] =	ssyncadd.s32 s5;
	_ =	sdelay $0x1  }
0xa2: {  	s23 =	simm.s32 $0x1B8B  }
0xa3: {  	_ =	swait.ge [sflag:s23], $0x1  }
0xa4: {  	[sflag:s23] =	ssyncset.done $0x0  }
0xa5: {  	s25 =	simm.s32 $0x1B8E;
	s24 =	sld [smem:$0x3FFE];
	[sflag:s23] =	ssyncadd.s32 $0xFFFFFFFF  }
0xa6: {  	s26 =	simm.s32 $execute0_lowered;
	[smem:$0x3FD2] =	sst s25  }
0xa7: {  	s6 =	sshll.u32 s26, $0x1;
	_ =	strace $0x80000046;
	[dreg:$0x1] =	wrdreg $0xFFFFFFFF  }
0xa8: {  	s28 =	simm.s32 $_size_execute0_lowered;
	s4 =	sadd.s32 s4, s6;
	[dreg:$0x0] =	wrdreg $0x0  }
0xa9: {  	s6 =	sshll.u32 s28, $0x1;
	[dreg:$0x2] =	wrdreg s4  }
0xaa: {  	[dreg:$0x3] =	wrdreg s6  }
0xab: {  	[dreg:$0x4] =	wrdreg $0xC0  }
0xac: {  	_ =	task [dreg:s8], $0x5FFFF  }
0xad: {  	[dreg:$0x1] =	wrdreg $0xFFFFFFFF  }
0xae: {  	[dreg:$0x0] =	wrdreg $0x60  }
0xaf: {  	[dreg:$0x2] =	wrdreg s18  }
0xb0: {  	[dreg:$0x3] =	wrdreg s24  }
0xb1: {  	[dreg:$0x4] =	wrdreg s2  }
0xb2: {  	[dreg:$0x5] =	wrdreg $0xC0000  }
0xb3: {  	[dreg:$0x6] =	wrdreg $0x9  }
0xb4: {  	_ =	task.clear_ibuf [dreg:s8], $0x7FFFF;
	_ =	strace $0x90000046  }
0xb5: {  	s29 =	simm.s32 $0x9;
	_ =	strace $0x8000004C  }
0xb6: {  	_ =	swait.ge [sflag:s29], $0x1  }
0xb7: {  	[sflag:s29] =	ssyncadd.s32 $0xFFFFFFFF  }
0xb8: {  	_ =	strace $0x9000004C  }
0xb9: {  	_ =	sfence  }
0xba: {  	s30 =	sld [smem:$0x0];
	_ =	sdelay $0x2  }
0xbb: {  	s31 =	sshll.u32 s1, $0xD;
	s1 =	sshrl.u32 s1, $0x2  }
0xbc: {  	s3 =	sand.u32 $0x4000, s31;
	s1 =	sadd.s32 s1, s30  }
0xbd: {  	s0 =	sor.u32 s3, s0;
	s1 =	sshll.u32 s1, $0x11  }
0xbe: {  	s0 =	sor.u32 s1, s0  }
0xbf: {  	s0 =	sadd.s32 $0x8F2B, s0  }
0xc0: {  	[sflag:s0] =	ssyncadd.remote.s32 $0x1  }
0xc1: {  	_ =	sfence.sel $0xFFFF  }
0xc2: {  	[dreg:$0x0] =	wrdreg $0xFFFFFFFF;
	(pc) =	sbr.abs _section_cstart, $3  }
0xc3: {  	[dreg:$0x1] =	wrdreg $0xFFFFFFFF  }
0xc4: {  	_ =	task.clear_ibuf [dreg:s8], $0x2FFFF;
	_ =	strace $0x9FFFFFFF  }
0xc5: {  	(tm) =	ssettm $0x7FFFFFFF  }
tec
execute0_lowered:
.L_overlay_start_1:
0x0: {  	(tag) =	ssettag $0x1  }
0x1: {  	s0 =	rddreg [dreg:$0x0]  }
0x2: {  	s1 =	rddreg [dreg:$0x1];
	s4 =	srdreg.scid  }
0x3: {  	s2 =	rddreg [dreg:$0x3];
	s18 =	stileid.u32  }
0x4: {  	s19 =	simm.s32 $0x0;
	s4 =	sand.u32 $0x1, s4;
	s6 =	smul.u32 $0x14000, s18  }
0x5: {  	s7 =	sadd.s32 $0x1C00, s1;
	s9 =	sshll.u32 s18, $0xB;
	s30 =	sshll.u32 s18, $0xE  }
0x6: {  	[smem:$0x7FF] =	sst s19;
	s5 =	smul.u32 $0x140000, s4;
	s8 =	ssub.s32 $0x2, s4  }
0x7: {  	s10 =	sshll.u32 s4, $0xF;
	s4 =	sshll.u32 s4, $0x12;
	s12 =	sshrl.u32 s8, $0x1  }
0x8: {  	s9 =	sor.u32 s10, s9;
	s22 =	sor.u32 $0x2800, s6;
	s23 =	sadd.s32 $0x5000, s6  }
0x9: {  	s24 =	sadd.s32 $0x7800, s6;
	s25 =	sadd.s32 $0xA000, s6;
	s13 =	sadd.s32 $0xC800, s6  }
0xa: {  	s15 =	sadd.s32 $0xF000, s6;
	s4 =	sor.u32 s30, s4;
	s11 =	sadd.s32 s5, s6  }
0xb: {  	s8 =	ssub.s32 s8, s12;
	s20 =	sadd.s32 s0, s9;
	s14 =	sadd.s32 s5, s22  }
0xc: {  	s6 =	sadd.s32 $0x11800, s6;
	s26 =	sadd.s32 s5, s23;
	s16 =	sadd.s32 s5, s24  }
0xd: {  	s31 =	sadd.s32 s5, s13;
	s3 =	sadd.s32 s5, s15;
	s17 =	sshrl.u32 s11, $0x3  }
0xe: {  	s14 =	sshrl.u32 s14, $0x3;
	s16 =	sshrl.u32 s16, $0x3;
	s21 =	sadd.s32 s7, s17  }
0xf: {  	s14 =	sadd.s32 s7, s14;
	s17 =	sadd.s32 s5, s25;
	[dreg:$0x9] =	wrdreg s21  }
0x10: {  	s28 =	sadd.s32 s7, s16;
	[dreg:$0xa] =	wrdreg s14;
	s14 =	sshrl.u32 s26, $0x3  }
0x11: {  	[dreg:$0xc] =	wrdreg s28;
	s29 =	sshrl.u32 s17, $0x3;
	s14 =	sadd.s32 s7, s14  }
0x12: {  	s16 =	sshrl.u32 s31, $0x3;
	[dreg:$0xb] =	wrdreg s14;
	s14 =	sadd.s32 s7, s29  }
0x13: {  	s5 =	sadd.s32 s5, s6;
	[dreg:$0xd] =	wrdreg s14;
	s14 =	sshrl.u32 s3, $0x3  }
0x14: {  	s16 =	sadd.s32 s7, s16;
	s5 =	sshrl.u32 s5, $0x3;
	s14 =	sadd.s32 s7, s14  }
0x15: {  	s5 =	sadd.s32 s7, s5;
	[dreg:$0xf] =	wrdreg s14;
	s14 =	sor.u32 $0x1000, s4  }
0x16: {  	[dreg:$0x10] =	wrdreg s5;
	s4 =	sor.u32 $0x81000, s4;
	s5 =	sshrl.u32 s14, $0x3  }
0x17: {  	[dreg:$0xe] =	wrdreg s16;
	s4 =	sshrl.u32 s4, $0x3;
	s5 =	sadd.s32 s5, s0  }
0x18: {  	s16 =	smul.u32 $0x50000, s18;
	s0 =	sadd.s32 s4, s0;
	[dreg:$0x11] =	wrdreg s5  }
0x19: {  	s19 =	smax.u32 s8, $0x1;
	s17 =	sadd.s32 $0x1600, s1;
	[dreg:$0x12] =	wrdreg s0  }
0x1a: {  	s18 =	sshrl.u32 s16, $0x2;
	_ =	strace $0x80000047;
	[dreg:$0x13] =	wrdreg s17  }
0x1b: {  	s0 =	sadd.s32 s18, s2;
	[dreg:$0x14] =	wrdreg s19  }
0x1c: {  	s21 =	sadd.s32 s22, s2;
	[dreg:$0x15] =	wrdreg s0  }
0x1d: {  	s22 =	sadd.s32 s23, s2;
	[dreg:$0x16] =	wrdreg s21  }
0x1e: {  	s23 =	sadd.s32 s24, s2;
	[dreg:$0x17] =	wrdreg s22  }
0x1f: {  	s24 =	sadd.s32 s25, s2;
	[dreg:$0x18] =	wrdreg s23  }
0x20: {  	s25 =	sadd.s32 s13, s2;
	[dreg:$0x19] =	wrdreg s24  }
0x21: {  	s26 =	sadd.s32 s15, s2;
	[dreg:$0x1a] =	wrdreg s25  }
0x22: {  	s28 =	sadd.s32 s6, s2;
	[dreg:$0x1b] =	wrdreg s26  }
0x23: {  	s29 =	sadd.s32 $0x10000, s20;
	[dreg:$0x1c] =	wrdreg s28  }
0x24: {  	s30 =	sadd.s32 $0x100, s20;
	[dreg:$0x1d] =	wrdreg s29  }
0x25: {  	[dreg:$0x1e] =	wrdreg s30  }
0x26: {  	s31 =	sadd.s32 $0x10100, s20;
	s5 =	simm.s32 $0xA;
	[dreg:$0x8] =	wrdreg s20  }
0x27: {  	s2 =	simm.s32 $0x0;
	[dreg:$0x1f] =	wrdreg s31;
	s0 =	simm.s32 $0x50  }
.LBB2_1:
0x28: {  	[smem:$0x7F4] =	sst s2  }
0x29: {  	_ =	strace $0x80000048  }
0x2a: {  	s1 =	stileid.u32;
	s15 =	rddreg [dreg:$0x15]  }
0x2b: {  	s1 =	sshll.u32 s1, $0x6;
	s16 =	rddreg [dreg:$0x13];
	s3 =	sshrl.u32 s15, $0x3  }
0x2c: {  	s14 =	sor.u32 $0x1C0A, s1;
	[smem:$0x7F5] =	sst s3  }
0x2d: {  	[spmem:s3], [sflag:s14] =	dma.local [hbm:s16], $0x500  }
0x2e: {  	_ =	swait.ge [sflag:s5], $0x500  }
0x2f: {  	s4 =	rddreg [dreg:$0x16]  }
0x30: {  	[sflag:s5] =	ssyncset.done $0x0;
	s17 =	sshrl.u32 s4, $0x3  }
0x31: {  	[sflag:s5] =	ssyncadd.s32 $0xFFFFFB00;
	[smem:$0x7F6] =	sst s17  }
0x32: {  	[spmem:s17], [sflag:s14] =	dma.local [hbm:s16], $0x500  }
0x33: {  	_ =	swait.ge [sflag:s5], $0x500  }
0x34: {  	s18 =	rddreg [dreg:$0x17]  }
0x35: {  	[sflag:s5] =	ssyncset.done $0x0;
	s19 =	sshrl.u32 s18, $0x3  }
0x36: {  	[sflag:s5] =	ssyncadd.s32 $0xFFFFFB00;
	[smem:$0x7F7] =	sst s19  }
0x37: {  	[spmem:s19], [sflag:s14] =	dma.local [hbm:s16], $0x500  }
0x38: {  	_ =	swait.ge [sflag:s5], $0x500  }
0x39: {  	s20 =	rddreg [dreg:$0x18]  }
0x3a: {  	[sflag:s5] =	ssyncset.done $0x0;
	s21 =	sshrl.u32 s20, $0x3  }
0x3b: {  	[sflag:s5] =	ssyncadd.s32 $0xFFFFFB00;
	[smem:$0x7F8] =	sst s21  }
0x3c: {  	[spmem:s21], [sflag:s14] =	dma.local [hbm:s16], $0x500  }
0x3d: {  	_ =	swait.ge [sflag:s5], $0x500  }
0x3e: {  	s22 =	rddreg [dreg:$0x19]  }
0x3f: {  	[sflag:s5] =	ssyncset.done $0x0;
	s23 =	sshrl.u32 s22, $0x3  }
0x40: {  	[sflag:s5] =	ssyncadd.s32 $0xFFFFFB00;
	[smem:$0x7F9] =	sst s23  }
0x41: {  	[spmem:s23], [sflag:s14] =	dma.local [hbm:s16], $0x500  }
0x42: {  	_ =	swait.ge [sflag:s5], $0x500  }
0x43: {  	s24 =	rddreg [dreg:$0x1a]  }
0x44: {  	[sflag:s5] =	ssyncset.done $0x0;
	s25 =	sshrl.u32 s24, $0x3  }
0x45: {  	[sflag:s5] =	ssyncadd.s32 $0xFFFFFB00;
	[smem:$0x7FA] =	sst s25  }
0x46: {  	[spmem:s25], [sflag:s14] =	dma.local [hbm:s16], $0x500  }
0x47: {  	_ =	swait.ge [sflag:s5], $0x500  }
0x48: {  	s26 =	rddreg [dreg:$0x1b]  }
0x49: {  	[sflag:s5] =	ssyncset.done $0x0;
	s28 =	sshrl.u32 s26, $0x3  }
0x4a: {  	[sflag:s5] =	ssyncadd.s32 $0xFFFFFB00;
	[smem:$0x7FB] =	sst s28  }
0x4b: {  	[spmem:s28], [sflag:s14] =	dma.local [hbm:s16], $0x500  }
0x4c: {  	_ =	swait.ge [sflag:s5], $0x500  }
0x4d: {  	s29 =	rddreg [dreg:$0x1c]  }
0x4e: {  	[sflag:s5] =	ssyncset.done $0x0;
	[smem:$0x7FC] =	sst s14;
	s30 =	sshrl.u32 s29, $0x3  }
0x4f: {  	[sflag:s5] =	ssyncadd.s32 $0xFFFFFB00;
	[smem:$0x7FD] =	sst s30  }
0x50: {  	[spmem:s30], [sflag:s14] =	dma.local [hbm:s16], $0x500  }
0x51: {  	_ =	swait.ge [sflag:s5], $0x500  }
0x52: {  	[sflag:s5] =	ssyncset.done $0x0  }
0x53: {  	[sflag:s5] =	ssyncadd.s32 $0xFFFFFB00  }
0x54: {  	_ =	strace $0x90000048  }
0x55: {  	_ =	strace $0x80000049  }
0x56: {  	s31 =	simm.s32 $0x0;
	s2 =	rddreg [dreg:$0x8]  }
0x57: {  	[tilespmem:s31], [sflag:$0xA] =	stream.linear.gather [hbm4b:s2+s31], $0x800, $0x200038;
	v63 =	vld [tilespmem:$0x0]  }
0x58: {  	_ =	swait.ge [sflag:s5], $0x800  }
0x59: {  	[sflag:s5] =	ssyncset.done $0x0  }
0x5a: {  	s6 =	simm.s32 $0x1000;
	s3 =	rddreg [dreg:$0x1d];
	[sflag:s5] =	ssyncadd.s32 $0xFFFFF800  }
0x5b: {  	[tilespmem:s6], [sflag:$0xA] =	stream.linear.gather [hbm4b:s3+s31], $0x800, $0x200038;
	v63 =	vld [tilespmem:$0x0]  }
0x5c: {  	_ =	swait.ge [sflag:s5], $0x800  }
0x5d: {  	[sflag:s5] =	ssyncset.done $0x0  }
0x5e: {  	[sflag:s5] =	ssyncadd.s32 $0xFFFFF800  }
0x5f: {  	[bflag:$0x0] =	sbarrier.arrive $0xFFFF  }
0x60: {  	s6 =	simm.s32 $0x800;
	s5 =	rddreg [dreg:$0x1e]  }
0x61: {  	[tilespmem:s6], [sflag:$0x9] =	stream.linear.gather [hbm4b:s5+s31], $0x800, $0x200038;
	v63 =	vld [tilespmem:$0x0]  }
0x62: {  	s8 =	simm.s32 $0x1800;
	s7 =	rddreg [dreg:$0x1f]  }
0x63: {  	[tilespmem:s8], [sflag:$0x9] =	stream.linear.gather [hbm4b:s7+s31], $0x800, $0x200038;
	v63 =	vld [tilespmem:$0x0]  }
0x64: {  	p0 =	por $0x1, $0x1;
	_ =	strace $0x90000049  }
0x65: {  	s1 =	simm.s32 @!p0 $0x9;
	_ =	strace $0x8000004A  }
0x66: {  	_ =	swait.ge @!p0 [sflag:s1], $0x800  }
0x67: {  	[sflag:s1] =	ssyncset.done @!p0 $0x0  }
0x68: {  	[sflag:s1] =	ssyncadd.s32 @!p0 $0xFFFFF800  }
0x69: {  	_ =	swait.ge @!p0 [sflag:s1], $0x800  }
0x6a: {  	s4 =	sand.u32 $0x1, s31;
	[sflag:s1] =	ssyncset.done @!p0 $0x0  }
0x6b: {  	s19 =	sshll.u32 s4, $0xB;
	s5 =	sshll.u32 s4, $0xD;
	[sflag:s1] =	ssyncadd.s32 @!p0 $0xFFFFF800  }
0x6c: {  	s4 =	sshrl.u32 s5, $0x2;
	s7 =	simm.s32 $0x2000;
	s3 =	rddreg [dreg:$0x2]  }
0x6d: {  	[tilespmem:s7], [sflag:$0x1] =	stream.indirect.gather [hbm4b:s3+s0], $0x80, s19, s0, $0x2000b8;
	v63 =	vld [tilespmem:$0x0]  }
0x6e: {  	s9 =	sadd.s32 $0x80, s4;
	s8 =	simm.s32 $0x4800  }
0x6f: {  	[tilespmem:s8], [sflag:$0x2] =	stream.indirect.gather [hbm4b:s3+s0], $0x80, s9, s0, $0x2000b8;
	v63 =	vld [tilespmem:$0x0]  }
0x70: {  	s10 =	sadd.s32 $0x100, s4;
	s9 =	simm.s32 $0x7000  }
0x71: {  	[tilespmem:s9], [sflag:$0x3] =	stream.indirect.gather [hbm4b:s3+s0], $0x80, s10, s0, $0x2000b8;
	v63 =	vld [tilespmem:$0x0]  }
0x72: {  	s10 =	simm.s32 $0x1  }
0x73: {  	_ =	swait.ge [sflag:s10], $0x2800  }
0x74: {  	[sflag:s10] =	ssyncset.done $0x0  }
0x75: {  	[sflag:s10] =	ssyncadd.s32 $0xFFFFD800  }
0x76: {  	s11 =	sor.u32 $0x1000, s4;
	s13 =	rddreg [dreg:$0x3]  }
0x77: {  	[spmem:s13] =	stream.indirect.scatter.add.f32 [tilespmem:s7], [sflag:$0x5], $0x80, s11, s0, $0x2000b8;
	v63 =	vld [tilespmem:$0x0]  }
0x78: {  	s12 =	sadd.s32 $0x180, s4;
	s11 =	simm.s32 $0x9800  }
0x79: {  	[tilespmem:s11], [sflag:$0x4] =	stream.indirect.gather [hbm4b:s3+s0], $0x80, s12, s0, $0x2000b8;
	v63 =	vld [tilespmem:$0x0]  }
0x7a: {  	s12 =	simm.s32 $0x2  }
0x7b: {  	s14 =	sor.u32 $0x200, s5;
	_ =	swait.ge [sflag:s12], $0x2800  }
0x7c: {  	s1 =	sshrl.u32 s14, $0x2;
	[sflag:s12] =	ssyncset.done $0x0  }
0x7d: {  	s2 =	simm.s32 $0x5;
	s15 =	sor.u32 $0x1000, s1;
	[sflag:s12] =	ssyncadd.s32 $0xFFFFD800  }
0x7e: {  	[spmem:s13] =	stream.indirect.scatter.add.f32 [tilespmem:s8], [sflag:$0x6], $0x80, s15, s0, $0x2000b8;
	v63 =	vld [tilespmem:$0x0]  }
0x7f: {  	_ =	swait.ge [sflag:s2], $0x2800  }
0x80: {  	[sflag:s2] =	ssyncset.done $0x0  }
0x81: {  	s14 =	simm.s32 $0x3;
	s1 =	sadd.s32 $0x180, s1;
	[sflag:s2] =	ssyncadd.s32 $0xFFFFD800  }
0x82: {  	[tilespmem:s7], [sflag:$0x1] =	stream.indirect.gather [hbm4b:s3+s0], $0x80, s1, s0, $0x2000b8;
	v63 =	vld [tilespmem:$0x0]  }
0x83: {  	s16 =	sor.u32 $0x400, s5;
	_ =	swait.ge [sflag:s14], $0x2800  }
0x84: {  	s1 =	sshrl.u32 s16, $0x2;
	[sflag:s14] =	ssyncset.done $0x0  }
0x85: {  	s15 =	simm.s32 $0x6;
	s17 =	sor.u32 $0x1000, s1;
	[sflag:s14] =	ssyncadd.s32 $0xFFFFD800  }
0x86: {  	[spmem:s13] =	stream.indirect.scatter.add.f32 [tilespmem:s9], [sflag:$0x7], $0x80, s17, s0, $0x2000b8;
	v63 =	vld [tilespmem:$0x0]  }
0x87: {  	_ =	swait.ge [sflag:s15], $0x2800  }
0x88: {  	[sflag:s15] =	ssyncset.done $0x0  }
0x89: {  	s16 =	simm.s32 $0x4;
	s1 =	sadd.s32 $0x180, s1;
	[sflag:s15] =	ssyncadd.s32 $0xFFFFD800  }
0x8a: {  	[tilespmem:s8], [sflag:$0x2] =	stream.indirect.gather [hbm4b:s3+s0], $0x80, s1, s0, $0x2000b8;
	v63 =	vld [tilespmem:$0x0]  }
0x8b: {  	s18 =	sor.u32 $0x600, s5;
	_ =	swait.ge [sflag:s16], $0x2800  }
0x8c: {  	s1 =	sshrl.u32 s18, $0x2;
	[sflag:s16] =	ssyncset.done $0x0  }
0x8d: {  	s17 =	simm.s32 $0x7;
	s20 =	sor.u32 $0x1000, s1;
	[sflag:s16] =	ssyncadd.s32 $0xFFFFD800  }
0x8e: {  	[spmem:s13] =	stream.indirect.scatter.add.f32 [tilespmem:s11], [sflag:$0x8], $0x80, s20, s0, $0x2000b8;
	v63 =	vld [tilespmem:$0x0]  }
0x8f: {  	_ =	swait.ge [sflag:s17], $0x2800  }
0x90: {  	[sflag:s17] =	ssyncset.done $0x0  }
0x91: {  	s1 =	sadd.s32 $0x180, s1;
	[sflag:s17] =	ssyncadd.s32 $0xFFFFD800  }
0x92: {  	[tilespmem:s9], [sflag:$0x3] =	stream.indirect.gather [hbm4b:s3+s0], $0x80, s1, s0, $0x2000b8;
	v63 =	vld [tilespmem:$0x0]  }
0x93: {  	s21 =	sor.u32 $0x800, s5;
	_ =	swait.ge [sflag:s10], $0x2800  }
0x94: {  	s1 =	sshrl.u32 s21, $0x2;
	[sflag:s10] =	ssyncset.done $0x0  }
0x95: {  	s18 =	simm.s32 $0x8;
	s22 =	sor.u32 $0x1000, s1;
	[sflag:s10] =	ssyncadd.s32 $0xFFFFD800  }
0x96: {  	[spmem:s13] =	stream.indirect.scatter.add.f32 [tilespmem:s7], [sflag:$0x5], $0x80, s22, s0, $0x2000b8;
	v63 =	vld [tilespmem:$0x0]  }
0x97: {  	_ =	swait.ge [sflag:s18], $0x2800  }
0x98: {  	[sflag:s18] =	ssyncset.done $0x0  }
0x99: {  	s1 =	sadd.s32 $0x180, s1;
	[sflag:s18] =	ssyncadd.s32 $0xFFFFD800  }
0x9a: {  	[tilespmem:s11], [sflag:$0x4] =	stream.indirect.gather [hbm4b:s3+s0], $0x80, s1, s0, $0x2000b8;
	v63 =	vld [tilespmem:$0x0]  }
0x9b: {  	s23 =	sor.u32 $0xA00, s5;
	_ =	swait.ge [sflag:s12], $0x2800  }
0x9c: {  	s1 =	sshrl.u32 s23, $0x2;
	[sflag:s12] =	ssyncset.done $0x0  }
0x9d: {  	s24 =	sor.u32 $0x1000, s1;
	[sflag:s12] =	ssyncadd.s32 $0xFFFFD800  }
0x9e: {  	[spmem:s13] =	stream.indirect.scatter.add.f32 [tilespmem:s8], [sflag:$0x6], $0x80, s24, s0, $0x2000b8;
	v63 =	vld [tilespmem:$0x0]  }
0x9f: {  	_ =	swait.ge [sflag:s2], $0x2800  }
0xa0: {  	[sflag:s2] =	ssyncset.done $0x0  }
0xa1: {  	s1 =	sadd.s32 $0x180, s1;
	[sflag:s2] =	ssyncadd.s32 $0xFFFFD800  }
0xa2: {  	[tilespmem:s7], [sflag:$0x1] =	stream.indirect.gather [hbm4b:s3+s0], $0x80, s1, s0, $0x2000b8;
	v63 =	vld [tilespmem:$0x0]  }
0xa3: {  	s25 =	sor.u32 $0xC00, s5;
	_ =	swait.ge [sflag:s14], $0x2800  }
0xa4: {  	s1 =	sshrl.u32 s25, $0x2;
	[sflag:s14] =	ssyncset.done $0x0  }
0xa5: {  	s26 =	sor.u32 $0x1000, s1;
	[sflag:s14] =	ssyncadd.s32 $0xFFFFD800  }
0xa6: {  	[spmem:s13] =	stream.indirect.scatter.add.f32 [tilespmem:s9], [sflag:$0x7], $0x80, s26, s0, $0x2000b8;
	v63 =	vld [tilespmem:$0x0]  }
0xa7: {  	_ =	swait.ge [sflag:s15], $0x2800  }
0xa8: {  	[sflag:s15] =	ssyncset.done $0x0  }
0xa9: {  	s1 =	sadd.s32 $0x180, s1;
	[sflag:s15] =	ssyncadd.s32 $0xFFFFD800  }
0xaa: {  	[tilespmem:s8], [sflag:$0x2] =	stream.indirect.gather [hbm4b:s3+s0], $0x80, s1, s0, $0x2000b8;
	v63 =	vld [tilespmem:$0x0]  }
0xab: {  	s28 =	sor.u32 $0xE00, s5;
	_ =	swait.ge [sflag:s16], $0x2800  }
0xac: {  	s1 =	sshrl.u32 s28, $0x2;
	[sflag:s16] =	ssyncset.done $0x0  }
0xad: {  	s29 =	sor.u32 $0x1000, s1;
	[sflag:s16] =	ssyncadd.s32 $0xFFFFD800  }
0xae: {  	[spmem:s13] =	stream.indirect.scatter.add.f32 [tilespmem:s11], [sflag:$0x8], $0x80, s29, s0, $0x2000b8;
	v63 =	vld [tilespmem:$0x0]  }
0xaf: {  	_ =	swait.ge [sflag:s17], $0x2800  }
0xb0: {  	[sflag:s17] =	ssyncset.done $0x0  }
0xb1: {  	s1 =	sadd.s32 $0x180, s1;
	[sflag:s17] =	ssyncadd.s32 $0xFFFFD800  }
0xb2: {  	[tilespmem:s9], [sflag:$0x3] =	stream.indirect.gather [hbm4b:s3+s0], $0x80, s1, s0, $0x2000b8;
	v63 =	vld [tilespmem:$0x0]  }
0xb3: {  	s30 =	sor.u32 $0x1000, s5;
	_ =	swait.ge [sflag:s10], $0x2800  }
0xb4: {  	s1 =	sshrl.u32 s30, $0x2;
	[sflag:s10] =	ssyncset.done $0x0  }
0xb5: {  	s31 =	sor.u32 $0x1000, s1;
	[sflag:s10] =	ssyncadd.s32 $0xFFFFD800  }
0xb6: {  	[spmem:s13] =	stream.indirect.scatter.add.f32 [tilespmem:s7], [sflag:$0x5], $0x80, s31, s0, $0x2000b8;
	v63 =	vld [tilespmem:$0x0]  }
0xb7: {  	_ =	swait.ge [sflag:s18], $0x2800  }
0xb8: {  	[sflag:s18] =	ssyncset.done $0x0  }
0xb9: {  	s1 =	sadd.s32 $0x180, s1;
	[sflag:s18] =	ssyncadd.s32 $0xFFFFD800  }
0xba: {  	[tilespmem:s11], [sflag:$0x4] =	stream.indirect.gather [hbm4b:s3+s0], $0x80, s1, s0, $0x2000b8;
	v63 =	vld [tilespmem:$0x0]  }
0xbb: {  	s20 =	sor.u32 $0x1200, s5;
	_ =	swait.ge [sflag:s12], $0x2800  }
0xbc: {  	s1 =	sshrl.u32 s20, $0x2;
	[sflag:s12] =	ssyncset.done $0x0  }
0xbd: {  	s21 =	sor.u32 $0x1000, s1;
	[sflag:s12] =	ssyncadd.s32 $0xFFFFD800  }
0xbe: {  	[spmem:s13] =	stream.indirect.scatter.add.f32 [tilespmem:s8], [sflag:$0x6], $0x80, s21, s0, $0x2000b8;
	v63 =	vld [tilespmem:$0x0]  }
0xbf: {  	_ =	swait.ge [sflag:s2], $0x2800  }
0xc0: {  	[sflag:s2] =	ssyncset.done $0x0  }
0xc1: {  	s1 =	sadd.s32 $0x180, s1;
	[sflag:s2] =	ssyncadd.s32 $0xFFFFD800  }
0xc2: {  	[tilespmem:s7], [sflag:$0x1] =	stream.indirect.gather [hbm4b:s3+s0], $0x80, s1, s0, $0x2000b8;
	v63 =	vld [tilespmem:$0x0]  }
0xc3: {  	s22 =	sor.u32 $0x1400, s5;
	_ =	swait.ge [sflag:s14], $0x2800  }
0xc4: {  	s1 =	sshrl.u32 s22, $0x2;
	[sflag:s14] =	ssyncset.done $0x0  }
0xc5: {  	s23 =	sor.u32 $0x1000, s1;
	[sflag:s14] =	ssyncadd.s32 $0xFFFFD800  }
0xc6: {  	[spmem:s13] =	stream.indirect.scatter.add.f32 [tilespmem:s9], [sflag:$0x7], $0x80, s23, s0, $0x2000b8;
	v63 =	vld [tilespmem:$0x0]  }
0xc7: {  	_ =	swait.ge [sflag:s15], $0x2800  }
0xc8: {  	[sflag:s15] =	ssyncset.done $0x0  }
0xc9: {  	s1 =	sadd.s32 $0x180, s1;
	[sflag:s15] =	ssyncadd.s32 $0xFFFFD800  }
0xca: {  	[tilespmem:s8], [sflag:$0x2] =	stream.indirect.gather [hbm4b:s3+s0], $0x80, s1, s0, $0x2000b8;
	v63 =	vld [tilespmem:$0x0]  }
0xcb: {  	s24 =	sor.u32 $0x1600, s5;
	_ =	swait.ge [sflag:s16], $0x2800  }
0xcc: {  	s1 =	sshrl.u32 s24, $0x2;
	[sflag:s16] =	ssyncset.done $0x0  }
0xcd: {  	s25 =	sor.u32 $0x1000, s1;
	[sflag:s16] =	ssyncadd.s32 $0xFFFFD800  }
0xce: {  	[spmem:s13] =	stream.indirect.scatter.add.f32 [tilespmem:s11], [sflag:$0x8], $0x80, s25, s0, $0x2000b8;
	v63 =	vld [tilespmem:$0x0]  }
0xcf: {  	_ =	swait.ge [sflag:s17], $0x2800  }
0xd0: {  	[sflag:s17] =	ssyncset.done $0x0  }
0xd1: {  	s1 =	sadd.s32 $0x180, s1;
	[sflag:s17] =	ssyncadd.s32 $0xFFFFD800  }
0xd2: {  	[tilespmem:s9], [sflag:$0x3] =	stream.indirect.gather [hbm4b:s3+s0], $0x80, s1, s0, $0x2000b8;
	v63 =	vld [tilespmem:$0x0]  }
0xd3: {  	s26 =	sor.u32 $0x1800, s5;
	_ =	swait.ge [sflag:s10], $0x2800  }
0xd4: {  	s1 =	sshrl.u32 s26, $0x2;
	[sflag:s10] =	ssyncset.done $0x0  }
0xd5: {  	s28 =	sor.u32 $0x1000, s1;
	[sflag:s10] =	ssyncadd.s32 $0xFFFFD800  }
0xd6: {  	[spmem:s13] =	stream.indirect.scatter.add.f32 [tilespmem:s7], [sflag:$0x5], $0x80, s28, s0, $0x2000b8;
	v63 =	vld [tilespmem:$0x0]  }
0xd7: {  	_ =	swait.ge [sflag:s18], $0x2800  }
0xd8: {  	[sflag:s18] =	ssyncset.done $0x0  }
0xd9: {  	s1 =	sadd.s32 $0x180, s1;
	[sflag:s18] =	ssyncadd.s32 $0xFFFFD800  }
0xda: {  	[tilespmem:s11], [sflag:$0x4] =	stream.indirect.gather [hbm4b:s3+s0], $0x80, s1, s0, $0x2000b8;
	v63 =	vld [tilespmem:$0x0]  }
0xdb: {  	_ =	swait.ge [sflag:s12], $0x2800  }
0xdc: {  	[sflag:s12] =	ssyncset.done $0x0  }
0xdd: {  	s29 =	sadd.s32 $0x1680, s4;
	[sflag:s12] =	ssyncadd.s32 $0xFFFFD800  }
0xde: {  	[spmem:s13] =	stream.indirect.scatter.add.f32 [tilespmem:s8], [sflag:$0x6], $0x80, s29, s0, $0x2000b8;
	v63 =	vld [tilespmem:$0x0]  }
0xdf: {  	_ =	swait.ge [sflag:s2], $0x2800  }
0xe0: {  	[sflag:s2] =	ssyncset.done $0x0  }
0xe1: {  	[sflag:s2] =	ssyncadd.s32 $0xFFFFD800  }
0xe2: {  	_ =	swait.ge [sflag:s14], $0x2800  }
0xe3: {  	[sflag:s14] =	ssyncset.done $0x0  }
0xe4: {  	s30 =	sadd.s32 $0x1700, s4;
	[sflag:s14] =	ssyncadd.s32 $0xFFFFD800  }
0xe5: {  	[spmem:s13] =	stream.indirect.scatter.add.f32 [tilespmem:s9], [sflag:$0x7], $0x80, s30, s0, $0x2000b8;
	v63 =	vld [tilespmem:$0x0]  }
0xe6: {  	_ =	swait.ge [sflag:s15], $0x2800  }
0xe7: {  	[sflag:s15] =	ssyncset.done $0x0  }
0xe8: {  	[sflag:s15] =	ssyncadd.s32 $0xFFFFD800  }
0xe9: {  	_ =	swait.ge [sflag:s16], $0x2800  }
0xea: {  	[sflag:s16] =	ssyncset.done $0x0  }
0xeb: {  	s31 =	sadd.s32 $0x1780, s4;
	[sflag:s16] =	ssyncadd.s32 $0xFFFFD800  }
0xec: {  	[spmem:s13] =	stream.indirect.scatter.add.f32 [tilespmem:s11], [sflag:$0x8], $0x80, s31, s0, $0x2000b8;
	v63 =	vld [tilespmem:$0x0]  }
0xed: {  	_ =	swait.ge [sflag:s17], $0x2800  }
0xee: {  	p0 =	por $0x0, $0x0;
	[sflag:s17] =	ssyncset.done $0x0  }
0xef: {  	p2 =	por $0x0, $0x0;
	s6 =	simm.s32 @!p0 $0x0;
	[sflag:s17] =	ssyncadd.s32 $0xFFFFD800  }
0xf0: {  	s4 =	simm.s32 $0x1;
	s21 =	simm.s32 $0x2;
	_ =	swait.ge [sflag:s18], $0x2800  }
0xf1: {  	s25 =	sor.u32 @!p0 $0x1000, s19;
	[sflag:s18] =	ssyncset.done $0x0;
	s23 =	rddreg [dreg:$0x11]  }
0xf2: {  	s22 =	rddreg [dreg:$0x12];
	[sflag:s18] =	ssyncadd.s32 $0xFFFFD800;
	s14 =	sadd.s32 $0x100, s23  }
0xf3: {  	s5 =	sadd.s32 $0x100, s22;
	s1 =	smov.u32 s23;
	s2 =	smov.u32 s22  }
.LBB2_2:
0xf4: {  	[tilespmem:s19], [sflag:$0x9] =	stream.linear.gather @!p0 [hbm4b:s1+s6], $0x800, $0x200038;
	v63 =	vld [tilespmem:$0x0]  }
0xf5: {  	[dreg:$0x5] =	wrdreg s5;
	s7 =	simm.s32 @!p2 $0x9  }
0xf6: {  	[tilespmem:s25], [sflag:$0x9] =	stream.linear.gather @!p0 [hbm4b:s2+s6], $0x800, $0x200038;
	v63 =	vld [tilespmem:$0x0]  }
0xf7: {  	s17 =	smov.u32 s14;
	_ =	swait.ge @!p2 [sflag:s7], $0x800  }
0xf8: {  	s18 =	smov.u32 s5;
	[dreg:$0x6] =	wrdreg s17;
	[sflag:s7] =	ssyncset.done @!p2 $0x0  }
0xf9: {  	[dreg:$0x7] =	wrdreg s18;
	[sflag:s7] =	ssyncadd.s32 @!p2 $0xFFFFF800  }
0xfa: {  	_ =	swait.ge @!p2 [sflag:s7], $0x800  }
0xfb: {  	s19 =	sand.u32 $0x1, s4;
	s10 =	simm.s32 $0x2000;
	[sflag:s7] =	ssyncset.done @!p2 $0x0  }
0xfc: {  	p0 =	sgt.u32 s4, $0x5;
	s4 =	sshll.u32 s19, $0xD;
	[sflag:s7] =	ssyncadd.s32 @!p2 $0xFFFFF800  }
0xfd: {  	s5 =	sshll.u32 s19, $0xB;
	s24 =	sshrl.u32 s4, $0x2;
	s3 =	rddreg [dreg:$0x2]  }
0xfe: {  	[tilespmem:s10], [sflag:$0x1] =	stream.indirect.gather [hbm4b:s3+s0], $0x80, s5, s0, $0x2000b8;
	v63 =	vld [tilespmem:$0x0]  }
0xff: {  	s11 =	simm.s32 $0x4800;
	s22 =	sadd.s32 $0x80, s24  }
0x100: {  	[tilespmem:s11], [sflag:$0x2] =	stream.indirect.gather [hbm4b:s3+s0], $0x80, s22, s0, $0x2000b8;
	v63 =	vld [tilespmem:$0x0]  }
0x101: {  	s12 =	simm.s32 $0x7000;
	s13 =	simm.s32 $0x1;
	s8 =	sadd.s32 $0x100, s24  }
0x102: {  	[tilespmem:s12], [sflag:$0x3] =	stream.indirect.gather [hbm4b:s3+s0], $0x80, s8, s0, $0x2000b8;
	v63 =	vld [tilespmem:$0x0]  }
0x103: {  	_ =	swait.ge [sflag:s13], $0x2800  }
0x104: {  	[sflag:s13] =	ssyncset.done $0x0  }
0x105: {  	s20 =	sor.u32 $0x200, s4;
	[sflag:s13] =	ssyncadd.s32 $0xFFFFD800  }
0x106: {  	s2 =	sor.u32 $0xE00, s4;
	s28 =	sor.u32 $0x1000, s24;
	s22 =	rddreg [dreg:$0x3]  }
0x107: {  	[spmem:s22] =	stream.indirect.scatter.add.f32 [tilespmem:s10], [sflag:$0x5], $0x80, s28, s0, $0x2000b8;
	v63 =	vld [tilespmem:$0x0]  }
0x108: {  	s17 =	simm.s32 $0x9800;
	s18 =	simm.s32 $0x2;
	s29 =	sadd.s32 $0x180, s24  }
0x109: {  	[tilespmem:s17], [sflag:$0x4] =	stream.indirect.gather [hbm4b:s3+s0], $0x80, s29, s0, $0x2000b8;
	v63 =	vld [tilespmem:$0x0]  }
0x10a: {  	s25 =	sshrl.u32 s20, $0x2;
	s20 =	sor.u32 $0xA00, s4;
	_ =	swait.ge [sflag:s18], $0x2800  }
0x10b: {  	s31 =	sshrl.u32 s20, $0x2;
	s20 =	sshrl.u32 s2, $0x2;
	[sflag:s18] =	ssyncset.done $0x0  }
0x10c: {  	s9 =	sor.u32 $0x1000, s25;
	s2 =	simm.s32 $0x5;
	[sflag:s18] =	ssyncadd.s32 $0xFFFFD800  }
0x10d: {  	[spmem:s22] =	stream.indirect.scatter.add.f32 [tilespmem:s11], [sflag:$0x6], $0x80, s9, s0, $0x2000b8;
	v63 =	vld [tilespmem:$0x0]  }
0x10e: {  	s16 =	sor.u32 $0x600, s4;
	s15 =	sor.u32 $0x1000, s4;
	_ =	swait.ge [sflag:s2], $0x2800  }
0x10f: {  	s25 =	sadd.s32 $0x180, s25;
	s8 =	sshrl.u32 s16, $0x2;
	[sflag:s2] =	ssyncset.done $0x0  }
0x110: {  	s16 =	sshrl.u32 s15, $0x2;
	s15 =	simm.s32 $0x3;
	[sflag:s2] =	ssyncadd.s32 $0xFFFFD800  }
0x111: {  	[tilespmem:s10], [sflag:$0x1] =	stream.indirect.gather [hbm4b:s3+s0], $0x80, s25, s0, $0x2000b8;
	v63 =	vld [tilespmem:$0x0]  }
0x112: {  	s23 =	sor.u32 $0x400, s4;
	_ =	swait.ge [sflag:s15], $0x2800  }
0x113: {  	s7 =	sshrl.u32 s23, $0x2;
	[sflag:s15] =	ssyncset.done $0x0  }
0x114: {  	s9 =	sor.u32 $0x1000, s7;
	[sflag:s15] =	ssyncadd.s32 $0xFFFFD800  }
0x115: {  	[spmem:s22] =	stream.indirect.scatter.add.f32 [tilespmem:s12], [sflag:$0x7], $0x80, s9, s0, $0x2000b8;
	v63 =	vld [tilespmem:$0x0]  }
0x116: {  	s9 =	simm.s32 $0x6  }
0x117: {  	_ =	swait.ge [sflag:s9], $0x2800  }
0x118: {  	[sflag:s9] =	ssyncset.done $0x0  }
0x119: {  	s7 =	sadd.s32 $0x180, s7;
	[sflag:s9] =	ssyncadd.s32 $0xFFFFD800  }
0x11a: {  	[tilespmem:s11], [sflag:$0x2] =	stream.indirect.gather [hbm4b:s3+s0], $0x80, s7, s0, $0x2000b8;
	v63 =	vld [tilespmem:$0x0]  }
0x11b: {  	s7 =	simm.s32 $0x4  }
0x11c: {  	_ =	swait.ge [sflag:s7], $0x2800  }
0x11d: {  	s23 =	sor.u32 $0x1400, s4;
	[sflag:s7] =	ssyncset.done $0x0  }
0x11e: {  	s29 =	sshrl.u32 s23, $0x2;
	s23 =	sor.u32 $0x1000, s8;
	[sflag:s7] =	ssyncadd.s32 $0xFFFFD800  }
0x11f: {  	[spmem:s22] =	stream.indirect.scatter.add.f32 [tilespmem:s17], [sflag:$0x8], $0x80, s23, s0, $0x2000b8;
	v63 =	vld [tilespmem:$0x0]  }
0x120: {  	s23 =	simm.s32 $0x7  }
0x121: {  	_ =	swait.ge [sflag:s23], $0x2800  }
0x122: {  	[sflag:s23] =	ssyncset.done $0x0  }
0x123: {  	s8 =	sadd.s32 $0x180, s8;
	[sflag:s23] =	ssyncadd.s32 $0xFFFFD800  }
0x124: {  	[tilespmem:s12], [sflag:$0x3] =	stream.indirect.gather [hbm4b:s3+s0], $0x80, s8, s0, $0x2000b8;
	v63 =	vld [tilespmem:$0x0]  }
0x125: {  	s26 =	sor.u32 $0x800, s4;
	_ =	swait.ge [sflag:s13], $0x2800  }
0x126: {  	s6 =	sshrl.u32 s26, $0x2;
	[sflag:s13] =	ssyncset.done $0x0  }
0x127: {  	s8 =	sor.u32 $0x1000, s6;
	[sflag:s13] =	ssyncadd.s32 $0xFFFFD800  }
0x128: {  	[spmem:s22] =	stream.indirect.scatter.add.f32 [tilespmem:s10], [sflag:$0x5], $0x80, s8, s0, $0x2000b8;
	v63 =	vld [tilespmem:$0x0]  }
0x129: {  	s8 =	simm.s32 $0x8  }
0x12a: {  	_ =	swait.ge [sflag:s8], $0x2800  }
0x12b: {  	[sflag:s8] =	ssyncset.done $0x0  }
0x12c: {  	s6 =	sadd.s32 $0x180, s6;
	[sflag:s8] =	ssyncadd.s32 $0xFFFFD800  }
0x12d: {  	[tilespmem:s17], [sflag:$0x4] =	stream.indirect.gather [hbm4b:s3+s0], $0x80, s6, s0, $0x2000b8;
	v63 =	vld [tilespmem:$0x0]  }
0x12e: {  	_ =	swait.ge [sflag:s18], $0x2800  }
0x12f: {  	[sflag:s18] =	ssyncset.done $0x0  }
0x130: {  	s6 =	sor.u32 $0x1000, s31;
	[sflag:s18] =	ssyncadd.s32 $0xFFFFD800  }
0x131: {  	[spmem:s22] =	stream.indirect.scatter.add.f32 [tilespmem:s11], [sflag:$0x6], $0x80, s6, s0, $0x2000b8;
	v63 =	vld [tilespmem:$0x0]  }
0x132: {  	_ =	swait.ge [sflag:s2], $0x2800  }
0x133: {  	[sflag:s2] =	ssyncset.done $0x0  }
0x134: {  	s31 =	sadd.s32 $0x180, s31;
	[sflag:s2] =	ssyncadd.s32 $0xFFFFD800  }
0x135: {  	[tilespmem:s10], [sflag:$0x1] =	stream.indirect.gather [hbm4b:s3+s0], $0x80, s31, s0, $0x2000b8;
	v63 =	vld [tilespmem:$0x0]  }
0x136: {  	s30 =	sor.u32 $0xC00, s4;
	_ =	swait.ge [sflag:s15], $0x2800  }
0x137: {  	s30 =	sshrl.u32 s30, $0x2;
	[sflag:s15] =	ssyncset.done $0x0  }
0x138: {  	s6 =	sor.u32 $0x1000, s30;
	[sflag:s15] =	ssyncadd.s32 $0xFFFFD800  }
0x139: {  	[spmem:s22] =	stream.indirect.scatter.add.f32 [tilespmem:s12], [sflag:$0x7], $0x80, s6, s0, $0x2000b8;
	v63 =	vld [tilespmem:$0x0]  }
0x13a: {  	_ =	swait.ge [sflag:s9], $0x2800  }
0x13b: {  	[sflag:s9] =	ssyncset.done $0x0  }
0x13c: {  	s31 =	sadd.s32 $0x180, s30;
	[sflag:s9] =	ssyncadd.s32 $0xFFFFD800  }
0x13d: {  	[tilespmem:s11], [sflag:$0x2] =	stream.indirect.gather [hbm4b:s3+s0], $0x80, s31, s0, $0x2000b8;
	v63 =	vld [tilespmem:$0x0]  }
0x13e: {  	_ =	swait.ge [sflag:s7], $0x2800  }
0x13f: {  	[sflag:s7] =	ssyncset.done $0x0  }
0x140: {  	s6 =	sor.u32 $0x1000, s20;
	[sflag:s7] =	ssyncadd.s32 $0xFFFFD800  }
0x141: {  	[spmem:s22] =	stream.indirect.scatter.add.f32 [tilespmem:s17], [sflag:$0x8], $0x80, s6, s0, $0x2000b8;
	v63 =	vld [tilespmem:$0x0]  }
0x142: {  	_ =	swait.ge [sflag:s23], $0x2800  }
0x143: {  	[sflag:s23] =	ssyncset.done $0x0  }
0x144: {  	s30 =	sadd.s32 $0x180, s20;
	[sflag:s23] =	ssyncadd.s32 $0xFFFFD800  }
0x145: {  	[tilespmem:s12], [sflag:$0x3] =	stream.indirect.gather [hbm4b:s3+s0], $0x80, s30, s0, $0x2000b8;
	v63 =	vld [tilespmem:$0x0]  }
0x146: {  	_ =	swait.ge [sflag:s13], $0x2800  }
0x147: {  	[sflag:s13] =	ssyncset.done $0x0  }
0x148: {  	s31 =	sor.u32 $0x1000, s16;
	[sflag:s13] =	ssyncadd.s32 $0xFFFFD800  }
0x149: {  	[spmem:s22] =	stream.indirect.scatter.add.f32 [tilespmem:s10], [sflag:$0x5], $0x80, s31, s0, $0x2000b8;
	v63 =	vld [tilespmem:$0x0]  }
0x14a: {  	_ =	swait.ge [sflag:s8], $0x2800  }
0x14b: {  	[sflag:s8] =	ssyncset.done $0x0  }
0x14c: {  	s6 =	sadd.s32 $0x180, s16;
	[sflag:s8] =	ssyncadd.s32 $0xFFFFD800  }
0x14d: {  	[tilespmem:s17], [sflag:$0x4] =	stream.indirect.gather [hbm4b:s3+s0], $0x80, s6, s0, $0x2000b8;
	v63 =	vld [tilespmem:$0x0]  }
0x14e: {  	s26 =	sor.u32 $0x1200, s4;
	_ =	swait.ge [sflag:s18], $0x2800  }
0x14f: {  	s19 =	sshrl.u32 s26, $0x2;
	[sflag:s18] =	ssyncset.done $0x0  }
0x150: {  	s16 =	sor.u32 $0x1000, s19;
	[sflag:s18] =	ssyncadd.s32 $0xFFFFD800  }
0x151: {  	[spmem:s22] =	stream.indirect.scatter.add.f32 [tilespmem:s11], [sflag:$0x6], $0x80, s16, s0, $0x2000b8;
	v63 =	vld [tilespmem:$0x0]  }
0x152: {  	_ =	swait.ge [sflag:s2], $0x2800  }
0x153: {  	[sflag:s2] =	ssyncset.done $0x0  }
0x154: {  	s25 =	sor.u32 @!p0 $0x1000, s5;
	s20 =	sadd.s32 $0x180, s19;
	[sflag:s2] =	ssyncadd.s32 $0xFFFFD800  }
0x155: {  	[tilespmem:s10], [sflag:$0x1] =	stream.indirect.gather [hbm4b:s3+s0], $0x80, s20, s0, $0x2000b8;
	v63 =	vld [tilespmem:$0x0]  }
0x156: {  	s19 =	smov.u32 s5;
	s5 =	rddreg [dreg:$0x5];
	_ =	swait.ge [sflag:s15], $0x2800  }
0x157: {  	[sflag:s15] =	ssyncset.done $0x0  }
0x158: {  	s30 =	sor.u32 $0x1000, s29;
	[sflag:s15] =	ssyncadd.s32 $0xFFFFD800  }
0x159: {  	[spmem:s22] =	stream.indirect.scatter.add.f32 [tilespmem:s12], [sflag:$0x7], $0x80, s30, s0, $0x2000b8;
	v63 =	vld [tilespmem:$0x0]  }
0x15a: {  	_ =	swait.ge [sflag:s9], $0x2800  }
0x15b: {  	[sflag:s9] =	ssyncset.done $0x0  }
0x15c: {  	s31 =	sadd.s32 $0x180, s29;
	[sflag:s9] =	ssyncadd.s32 $0xFFFFD800  }
0x15d: {  	[tilespmem:s11], [sflag:$0x2] =	stream.indirect.gather [hbm4b:s3+s0], $0x80, s31, s0, $0x2000b8;
	v63 =	vld [tilespmem:$0x0]  }
0x15e: {  	s28 =	sor.u32 $0x1600, s4;
	_ =	swait.ge [sflag:s7], $0x2800  }
0x15f: {  	s28 =	sshrl.u32 s28, $0x2;
	[sflag:s7] =	ssyncset.done $0x0  }
0x160: {  	s6 =	sor.u32 $0x1000, s28;
	[sflag:s7] =	ssyncadd.s32 $0xFFFFD800  }
0x161: {  	[spmem:s22] =	stream.indirect.scatter.add.f32 [tilespmem:s17], [sflag:$0x8], $0x80, s6, s0, $0x2000b8;
	v63 =	vld [tilespmem:$0x0]  }
0x162: {  	_ =	swait.ge [sflag:s23], $0x2800  }
0x163: {  	[sflag:s23] =	ssyncset.done $0x0  }
0x164: {  	s16 =	sadd.s32 $0x180, s28;
	[sflag:s23] =	ssyncadd.s32 $0xFFFFD800  }
0x165: {  	[tilespmem:s12], [sflag:$0x3] =	stream.indirect.gather [hbm4b:s3+s0], $0x80, s16, s0, $0x2000b8;
	v63 =	vld [tilespmem:$0x0]  }
0x166: {  	s4 =	sor.u32 $0x1800, s4;
	_ =	swait.ge [sflag:s13], $0x2800  }
0x167: {  	s26 =	sshrl.u32 s4, $0x2;
	[sflag:s13] =	ssyncset.done $0x0  }
0x168: {  	s20 =	sor.u32 $0x1000, s26;
	[sflag:s13] =	ssyncadd.s32 $0xFFFFD800  }
0x169: {  	[spmem:s22] =	stream.indirect.scatter.add.f32 [tilespmem:s10], [sflag:$0x5], $0x80, s20, s0, $0x2000b8;
	v63 =	vld [tilespmem:$0x0]  }
0x16a: {  	_ =	swait.ge [sflag:s8], $0x2800  }
0x16b: {  	[sflag:s8] =	ssyncset.done $0x0  }
0x16c: {  	s28 =	sadd.s32 $0x180, s26;
	[sflag:s8] =	ssyncadd.s32 $0xFFFFD800  }
0x16d: {  	[tilespmem:s17], [sflag:$0x4] =	stream.indirect.gather [hbm4b:s3+s0], $0x80, s28, s0, $0x2000b8;
	v63 =	vld [tilespmem:$0x0]  }
0x16e: {  	_ =	swait.ge [sflag:s18], $0x2800  }
0x16f: {  	[sflag:s18] =	ssyncset.done $0x0  }
0x170: {  	s29 =	sadd.s32 $0x1680, s24;
	[sflag:s18] =	ssyncadd.s32 $0xFFFFD800  }
0x171: {  	[spmem:s22] =	stream.indirect.scatter.add.f32 [tilespmem:s11], [sflag:$0x6], $0x80, s29, s0, $0x2000b8;
	v63 =	vld [tilespmem:$0x0]  }
0x172: {  	_ =	swait.ge [sflag:s2], $0x2800  }
0x173: {  	[sflag:s2] =	ssyncset.done $0x0  }
0x174: {  	[sflag:s2] =	ssyncadd.s32 $0xFFFFD800  }
0x175: {  	s2 =	rddreg [dreg:$0x7];
	_ =	swait.ge [sflag:s15], $0x2800  }
0x176: {  	[sflag:s15] =	ssyncset.done $0x0  }
0x177: {  	s30 =	sadd.s32 $0x1700, s24;
	[sflag:s15] =	ssyncadd.s32 $0xFFFFD800  }
0x178: {  	[spmem:s22] =	stream.indirect.scatter.add.f32 [tilespmem:s12], [sflag:$0x7], $0x80, s30, s0, $0x2000b8;
	v63 =	vld [tilespmem:$0x0]  }
0x179: {  	_ =	swait.ge [sflag:s9], $0x2800  }
0x17a: {  	[sflag:s9] =	ssyncset.done $0x0  }
0x17b: {  	[sflag:s9] =	ssyncadd.s32 $0xFFFFD800  }
0x17c: {  	_ =	swait.ge [sflag:s7], $0x2800  }
0x17d: {  	s1 =	smov.u32 s21;
	s21 =	sadd.s32 $0x1, s21;
	[sflag:s7] =	ssyncset.done $0x0  }
0x17e: {  	p1 =	sne.s32 s21, $0x8;
	s31 =	sadd.s32 $0x1780, s24;
	[sflag:s7] =	ssyncadd.s32 $0xFFFFD800  }
0x17f: {  	[spmem:s22] =	stream.indirect.scatter.add.f32 [tilespmem:s17], [sflag:$0x8], $0x80, s31, s0, $0x2000b8;
	v63 =	vld [tilespmem:$0x0]  }
0x180: {  	s4 =	smov.u32 s1;
	s1 =	rddreg [dreg:$0x6];
	_ =	swait.ge [sflag:s23], $0x2800  }
.Ltmp0:
0x181: {  	[sflag:s23] =	ssyncset.done $0x0;
	(pc) =	sbr.rel @p1 .LBB2_2-.Ltmp0, $4  }
0x182: {  	[sflag:s23] =	ssyncadd.s32 $0xFFFFD800  }
0x183: {  	_ =	swait.ge [sflag:s8], $0x2800  }
0x184: {  	s14 =	sadd.s32 $0x100, s14;
	p2 =	seq.s32 s4, $0x0;
	[sflag:s8] =	ssyncset.done $0x0  }
0x185: {  	s5 =	sadd.s32 $0x100, s5;
	s6 =	simm.s32 @!p0 $0x0;
	[sflag:s8] =	ssyncadd.s32 $0xFFFFD800  }
0x186: {  	[tilespmem:s19], [sflag:$0x9] =	stream.linear.gather @!p0 [hbm4b:s1+s6], $0x800, $0x200038;
	v63 =	vld [tilespmem:$0x0]  }
0x187: {  	s1 =	simm.s32 @!p2 $0x9  }
0x188: {  	[tilespmem:s25], [sflag:$0x9] =	stream.linear.gather @!p0 [hbm4b:s2+s6], $0x800, $0x200038;
	v63 =	vld [tilespmem:$0x0]  }
0x189: {  	_ =	swait.ge @!p2 [sflag:s1], $0x800  }
0x18a: {  	[sflag:s1] =	ssyncset.done @!p2 $0x0  }
0x18b: {  	[sflag:s1] =	ssyncadd.s32 @!p2 $0xFFFFF800  }
0x18c: {  	_ =	swait.ge @!p2 [sflag:s1], $0x800  }
0x18d: {  	s18 =	sand.u32 $0x1, s4;
	[sflag:s1] =	ssyncset.done @!p2 $0x0  }
0x18e: {  	s7 =	simm.s32 $0x2000;
	s19 =	sshll.u32 s18, $0xD;
	[sflag:s1] =	ssyncadd.s32 @!p2 $0xFFFFF800  }
0x18f: {  	s15 =	sshll.u32 s18, $0xB;
	s21 =	sshrl.u32 s19, $0x2;
	s3 =	rddreg [dreg:$0x2]  }
0x190: {  	[tilespmem:s7], [sflag:$0x1] =	stream.indirect.gather [hbm4b:s3+s0], $0x80, s15, s0, $0x2000b8;
	v63 =	vld [tilespmem:$0x0]  }
0x191: {  	s8 =	simm.s32 $0x4800;
	s20 =	sadd.s32 $0x80, s21  }
0x192: {  	[tilespmem:s8], [sflag:$0x2] =	stream.indirect.gather [hbm4b:s3+s0], $0x80, s20, s0, $0x2000b8;
	v63 =	vld [tilespmem:$0x0]  }
0x193: {  	s9 =	simm.s32 $0x7000;
	s10 =	simm.s32 $0x1;
	s22 =	sadd.s32 $0x100, s21  }
0x194: {  	[tilespmem:s9], [sflag:$0x3] =	stream.indirect.gather [hbm4b:s3+s0], $0x80, s22, s0, $0x2000b8;
	v63 =	vld [tilespmem:$0x0]  }
0x195: {  	_ =	swait.ge [sflag:s10], $0x2800  }
0x196: {  	[sflag:s10] =	ssyncset.done $0x0  }
0x197: {  	[sflag:s10] =	ssyncadd.s32 $0xFFFFD800  }
0x198: {  	s23 =	sor.u32 $0x1000, s21;
	s13 =	rddreg [dreg:$0x3]  }
0x199: {  	[spmem:s13] =	stream.indirect.scatter.add.f32 [tilespmem:s7], [sflag:$0x5], $0x80, s23, s0, $0x2000b8;
	v63 =	vld [tilespmem:$0x0]  }
0x19a: {  	s11 =	simm.s32 $0x9800;
	s12 =	simm.s32 $0x2;
	s24 =	sadd.s32 $0x180, s21  }
0x19b: {  	[tilespmem:s11], [sflag:$0x4] =	stream.indirect.gather [hbm4b:s3+s0], $0x80, s24, s0, $0x2000b8;
	v63 =	vld [tilespmem:$0x0]  }
0x19c: {  	s25 =	sor.u32 $0x200, s19;
	_ =	swait.ge [sflag:s12], $0x2800  }
0x19d: {  	s1 =	sshrl.u32 s25, $0x2;
	[sflag:s12] =	ssyncset.done $0x0  }
0x19e: {  	s2 =	simm.s32 $0x5;
	s26 =	sor.u32 $0x1000, s1;
	[sflag:s12] =	ssyncadd.s32 $0xFFFFD800  }
0x19f: {  	[spmem:s13] =	stream.indirect.scatter.add.f32 [tilespmem:s8], [sflag:$0x6], $0x80, s26, s0, $0x2000b8;
	v63 =	vld [tilespmem:$0x0]  }
0x1a0: {  	_ =	swait.ge [sflag:s2], $0x2800  }
0x1a1: {  	[sflag:s2] =	ssyncset.done $0x0  }
0x1a2: {  	s16 =	simm.s32 $0x3;
	s1 =	sadd.s32 $0x180, s1;
	[sflag:s2] =	ssyncadd.s32 $0xFFFFD800  }
0x1a3: {  	[tilespmem:s7], [sflag:$0x1] =	stream.indirect.gather [hbm4b:s3+s0], $0x80, s1, s0, $0x2000b8;
	v63 =	vld [tilespmem:$0x0]  }
0x1a4: {  	s28 =	sor.u32 $0x400, s19;
	_ =	swait.ge [sflag:s16], $0x2800  }
0x1a5: {  	s1 =	sshrl.u32 s28, $0x2;
	[sflag:s16] =	ssyncset.done $0x0  }
0x1a6: {  	s17 =	simm.s32 $0x6;
	s29 =	sor.u32 $0x1000, s1;
	[sflag:s16] =	ssyncadd.s32 $0xFFFFD800  }
0x1a7: {  	[spmem:s13] =	stream.indirect.scatter.add.f32 [tilespmem:s9], [sflag:$0x7], $0x80, s29, s0, $0x2000b8;
	v63 =	vld [tilespmem:$0x0]  }
0x1a8: {  	_ =	swait.ge [sflag:s17], $0x2800  }
0x1a9: {  	[sflag:s17] =	ssyncset.done $0x0  }
0x1aa: {  	s18 =	simm.s32 $0x4;
	s1 =	sadd.s32 $0x180, s1;
	[sflag:s17] =	ssyncadd.s32 $0xFFFFD800  }
0x1ab: {  	[tilespmem:s8], [sflag:$0x2] =	stream.indirect.gather [hbm4b:s3+s0], $0x80, s1, s0, $0x2000b8;
	v63 =	vld [tilespmem:$0x0]  }
0x1ac: {  	s30 =	sor.u32 $0x600, s19;
	_ =	swait.ge [sflag:s18], $0x2800  }
0x1ad: {  	s1 =	sshrl.u32 s30, $0x2;
	[sflag:s18] =	ssyncset.done $0x0  }
0x1ae: {  	s20 =	simm.s32 $0x7;
	s31 =	sor.u32 $0x1000, s1;
	[sflag:s18] =	ssyncadd.s32 $0xFFFFD800  }
0x1af: {  	[spmem:s13] =	stream.indirect.scatter.add.f32 [tilespmem:s11], [sflag:$0x8], $0x80, s31, s0, $0x2000b8;
	v63 =	vld [tilespmem:$0x0]  }
0x1b0: {  	_ =	swait.ge [sflag:s20], $0x2800  }
0x1b1: {  	[sflag:s20] =	ssyncset.done $0x0  }
0x1b2: {  	s1 =	sadd.s32 $0x180, s1;
	[sflag:s20] =	ssyncadd.s32 $0xFFFFD800  }
0x1b3: {  	[tilespmem:s9], [sflag:$0x3] =	stream.indirect.gather [hbm4b:s3+s0], $0x80, s1, s0, $0x2000b8;
	v63 =	vld [tilespmem:$0x0]  }
0x1b4: {  	s6 =	sor.u32 $0x800, s19;
	_ =	swait.ge [sflag:s10], $0x2800  }
0x1b5: {  	s1 =	sshrl.u32 s6, $0x2;
	[sflag:s10] =	ssyncset.done $0x0  }
0x1b6: {  	s22 =	sor.u32 $0x1000, s1;
	[sflag:s10] =	ssyncadd.s32 $0xFFFFD800  }
0x1b7: {  	[spmem:s13] =	stream.indirect.scatter.add.f32 [tilespmem:s7], [sflag:$0x5], $0x80, s22, s0, $0x2000b8;
	v63 =	vld [tilespmem:$0x0]  }
0x1b8: {  	s22 =	simm.s32 $0x8  }
0x1b9: {  	_ =	swait.ge [sflag:s22], $0x2800  }
0x1ba: {  	[sflag:s22] =	ssyncset.done $0x0  }
0x1bb: {  	s1 =	sadd.s32 $0x180, s1;
	[sflag:s22] =	ssyncadd.s32 $0xFFFFD800  }
0x1bc: {  	[tilespmem:s11], [sflag:$0x4] =	stream.indirect.gather [hbm4b:s3+s0], $0x80, s1, s0, $0x2000b8;
	v63 =	vld [tilespmem:$0x0]  }
0x1bd: {  	s23 =	sor.u32 $0xA00, s19;
	_ =	swait.ge [sflag:s12], $0x2800  }
0x1be: {  	s1 =	sshrl.u32 s23, $0x2;
	[sflag:s12] =	ssyncset.done $0x0  }
0x1bf: {  	s24 =	sor.u32 $0x1000, s1;
	[sflag:s12] =	ssyncadd.s32 $0xFFFFD800  }
0x1c0: {  	[spmem:s13] =	stream.indirect.scatter.add.f32 [tilespmem:s8], [sflag:$0x6], $0x80, s24, s0, $0x2000b8;
	v63 =	vld [tilespmem:$0x0]  }
0x1c1: {  	_ =	swait.ge [sflag:s2], $0x2800  }
0x1c2: {  	[sflag:s2] =	ssyncset.done $0x0  }
0x1c3: {  	s1 =	sadd.s32 $0x180, s1;
	[sflag:s2] =	ssyncadd.s32 $0xFFFFD800  }
0x1c4: {  	[tilespmem:s7], [sflag:$0x1] =	stream.indirect.gather [hbm4b:s3+s0], $0x80, s1, s0, $0x2000b8;
	v63 =	vld [tilespmem:$0x0]  }
0x1c5: {  	s25 =	sor.u32 $0xC00, s19;
	_ =	swait.ge [sflag:s16], $0x2800  }
0x1c6: {  	s1 =	sshrl.u32 s25, $0x2;
	[sflag:s16] =	ssyncset.done $0x0  }
0x1c7: {  	s26 =	sor.u32 $0x1000, s1;
	[sflag:s16] =	ssyncadd.s32 $0xFFFFD800  }
0x1c8: {  	[spmem:s13] =	stream.indirect.scatter.add.f32 [tilespmem:s9], [sflag:$0x7], $0x80, s26, s0, $0x2000b8;
	v63 =	vld [tilespmem:$0x0]  }
0x1c9: {  	_ =	swait.ge [sflag:s17], $0x2800  }
0x1ca: {  	[sflag:s17] =	ssyncset.done $0x0  }
0x1cb: {  	s1 =	sadd.s32 $0x180, s1;
	[sflag:s17] =	ssyncadd.s32 $0xFFFFD800  }
0x1cc: {  	[tilespmem:s8], [sflag:$0x2] =	stream.indirect.gather [hbm4b:s3+s0], $0x80, s1, s0, $0x2000b8;
	v63 =	vld [tilespmem:$0x0]  }
0x1cd: {  	s28 =	sor.u32 $0xE00, s19;
	_ =	swait.ge [sflag:s18], $0x2800  }
0x1ce: {  	s1 =	sshrl.u32 s28, $0x2;
	[sflag:s18] =	ssyncset.done $0x0  }
0x1cf: {  	s29 =	sor.u32 $0x1000, s1;
	[sflag:s18] =	ssyncadd.s32 $0xFFFFD800  }
0x1d0: {  	[spmem:s13] =	stream.indirect.scatter.add.f32 [tilespmem:s11], [sflag:$0x8], $0x80, s29, s0, $0x2000b8;
	v63 =	vld [tilespmem:$0x0]  }
0x1d1: {  	_ =	swait.ge [sflag:s20], $0x2800  }
0x1d2: {  	[sflag:s20] =	ssyncset.done $0x0  }
0x1d3: {  	s1 =	sadd.s32 $0x180, s1;
	[sflag:s20] =	ssyncadd.s32 $0xFFFFD800  }
0x1d4: {  	[tilespmem:s9], [sflag:$0x3] =	stream.indirect.gather [hbm4b:s3+s0], $0x80, s1, s0, $0x2000b8;
	v63 =	vld [tilespmem:$0x0]  }
0x1d5: {  	s30 =	sor.u32 $0x1000, s19;
	_ =	swait.ge [sflag:s10], $0x2800  }
0x1d6: {  	s1 =	sshrl.u32 s30, $0x2;
	[sflag:s10] =	ssyncset.done $0x0  }
0x1d7: {  	s31 =	sor.u32 $0x1000, s1;
	[sflag:s10] =	ssyncadd.s32 $0xFFFFD800  }
0x1d8: {  	[spmem:s13] =	stream.indirect.scatter.add.f32 [tilespmem:s7], [sflag:$0x5], $0x80, s31, s0, $0x2000b8;
	v63 =	vld [tilespmem:$0x0]  }
0x1d9: {  	_ =	swait.ge [sflag:s22], $0x2800  }
0x1da: {  	[sflag:s22] =	ssyncset.done $0x0  }
0x1db: {  	s1 =	sadd.s32 $0x180, s1;
	[sflag:s22] =	ssyncadd.s32 $0xFFFFD800  }
0x1dc: {  	[tilespmem:s11], [sflag:$0x4] =	stream.indirect.gather [hbm4b:s3+s0], $0x80, s1, s0, $0x2000b8;
	v63 =	vld [tilespmem:$0x0]  }
0x1dd: {  	s23 =	sor.u32 $0x1200, s19;
	_ =	swait.ge [sflag:s12], $0x2800  }
0x1de: {  	s1 =	sshrl.u32 s23, $0x2;
	[sflag:s12] =	ssyncset.done $0x0  }
0x1df: {  	s24 =	sor.u32 $0x1000, s1;
	[sflag:s12] =	ssyncadd.s32 $0xFFFFD800  }
0x1e0: {  	[spmem:s13] =	stream.indirect.scatter.add.f32 [tilespmem:s8], [sflag:$0x6], $0x80, s24, s0, $0x2000b8;
	v63 =	vld [tilespmem:$0x0]  }
0x1e1: {  	_ =	swait.ge [sflag:s2], $0x2800  }
0x1e2: {  	[sflag:s2] =	ssyncset.done $0x0  }
0x1e3: {  	s1 =	sadd.s32 $0x180, s1;
	[sflag:s2] =	ssyncadd.s32 $0xFFFFD800  }
0x1e4: {  	[tilespmem:s7], [sflag:$0x1] =	stream.indirect.gather [hbm4b:s3+s0], $0x80, s1, s0, $0x2000b8;
	v63 =	vld [tilespmem:$0x0]  }
0x1e5: {  	s25 =	sor.u32 $0x1400, s19;
	_ =	swait.ge [sflag:s16], $0x2800  }
0x1e6: {  	s1 =	sshrl.u32 s25, $0x2;
	[sflag:s16] =	ssyncset.done $0x0  }
0x1e7: {  	s26 =	sor.u32 $0x1000, s1;
	[sflag:s16] =	ssyncadd.s32 $0xFFFFD800  }
0x1e8: {  	[spmem:s13] =	stream.indirect.scatter.add.f32 [tilespmem:s9], [sflag:$0x7], $0x80, s26, s0, $0x2000b8;
	v63 =	vld [tilespmem:$0x0]  }
0x1e9: {  	_ =	swait.ge [sflag:s17], $0x2800  }
0x1ea: {  	[sflag:s17] =	ssyncset.done $0x0  }
0x1eb: {  	s1 =	sadd.s32 $0x180, s1;
	[sflag:s17] =	ssyncadd.s32 $0xFFFFD800  }
0x1ec: {  	[tilespmem:s8], [sflag:$0x2] =	stream.indirect.gather [hbm4b:s3+s0], $0x80, s1, s0, $0x2000b8;
	v63 =	vld [tilespmem:$0x0]  }
0x1ed: {  	s28 =	sor.u32 $0x1600, s19;
	_ =	swait.ge [sflag:s18], $0x2800  }
0x1ee: {  	s1 =	sshrl.u32 s28, $0x2;
	[sflag:s18] =	ssyncset.done $0x0  }
0x1ef: {  	s29 =	sor.u32 $0x1000, s1;
	[sflag:s18] =	ssyncadd.s32 $0xFFFFD800  }
0x1f0: {  	[spmem:s13] =	stream.indirect.scatter.add.f32 [tilespmem:s11], [sflag:$0x8], $0x80, s29, s0, $0x2000b8;
	v63 =	vld [tilespmem:$0x0]  }
0x1f1: {  	_ =	swait.ge [sflag:s20], $0x2800  }
0x1f2: {  	[sflag:s20] =	ssyncset.done $0x0  }
0x1f3: {  	s1 =	sadd.s32 $0x180, s1;
	[sflag:s20] =	ssyncadd.s32 $0xFFFFD800  }
0x1f4: {  	[tilespmem:s9], [sflag:$0x3] =	stream.indirect.gather [hbm4b:s3+s0], $0x80, s1, s0, $0x2000b8;
	v63 =	vld [tilespmem:$0x0]  }
0x1f5: {  	s30 =	sor.u32 $0x1800, s19;
	_ =	swait.ge [sflag:s10], $0x2800  }
0x1f6: {  	s1 =	sshrl.u32 s30, $0x2;
	[sflag:s10] =	ssyncset.done $0x0  }
0x1f7: {  	s31 =	sor.u32 $0x1000, s1;
	[sflag:s10] =	ssyncadd.s32 $0xFFFFD800  }
0x1f8: {  	[spmem:s13] =	stream.indirect.scatter.add.f32 [tilespmem:s7], [sflag:$0x5], $0x80, s31, s0, $0x2000b8;
	v63 =	vld [tilespmem:$0x0]  }
0x1f9: {  	_ =	swait.ge [sflag:s22], $0x2800  }
0x1fa: {  	[sflag:s22] =	ssyncset.done $0x0  }
0x1fb: {  	s1 =	sadd.s32 $0x180, s1;
	[sflag:s22] =	ssyncadd.s32 $0xFFFFD800  }
0x1fc: {  	[tilespmem:s11], [sflag:$0x4] =	stream.indirect.gather [hbm4b:s3+s0], $0x80, s1, s0, $0x2000b8;
	v63 =	vld [tilespmem:$0x0]  }
0x1fd: {  	_ =	swait.ge [sflag:s12], $0x2800  }
0x1fe: {  	[sflag:s12] =	ssyncset.done $0x0  }
0x1ff: {  	s7 =	sadd.s32 $0x1680, s21;
	[sflag:s12] =	ssyncadd.s32 $0xFFFFD800  }
0x200: {  	[spmem:s13] =	stream.indirect.scatter.add.f32 [tilespmem:s8], [sflag:$0x6], $0x80, s7, s0, $0x2000b8;
	v63 =	vld [tilespmem:$0x0]  }
0x201: {  	_ =	swait.ge [sflag:s2], $0x2800  }
0x202: {  	[sflag:s2] =	ssyncset.done $0x0  }
0x203: {  	[sflag:s2] =	ssyncadd.s32 $0xFFFFD800  }
0x204: {  	_ =	swait.ge [sflag:s16], $0x2800  }
0x205: {  	[sflag:s16] =	ssyncset.done $0x0  }
0x206: {  	s8 =	sadd.s32 $0x1700, s21;
	[sflag:s16] =	ssyncadd.s32 $0xFFFFD800  }
0x207: {  	[spmem:s13] =	stream.indirect.scatter.add.f32 [tilespmem:s9], [sflag:$0x7], $0x80, s8, s0, $0x2000b8;
	v63 =	vld [tilespmem:$0x0]  }
0x208: {  	_ =	swait.ge [sflag:s17], $0x2800  }
0x209: {  	[sflag:s17] =	ssyncset.done $0x0  }
0x20a: {  	[sflag:s17] =	ssyncadd.s32 $0xFFFFD800  }
0x20b: {  	_ =	swait.ge [sflag:s18], $0x2800  }
0x20c: {  	[sflag:s18] =	ssyncset.done $0x0  }
0x20d: {  	s10 =	sadd.s32 $0x1780, s21;
	[sflag:s18] =	ssyncadd.s32 $0xFFFFD800  }
0x20e: {  	[spmem:s13] =	stream.indirect.scatter.add.f32 [tilespmem:s11], [sflag:$0x8], $0x80, s10, s0, $0x2000b8;
	v63 =	vld [tilespmem:$0x0]  }
0x20f: {  	_ =	swait.ge [sflag:s20], $0x2800  }
0x210: {  	[sflag:s20] =	ssyncset.done $0x0  }
0x211: {  	[sflag:s20] =	ssyncadd.s32 $0xFFFFD800  }
0x212: {  	_ =	swait.ge [sflag:s22], $0x2800  }
0x213: {  	p0 =	sgt.u32 s4, $0x5;
	[sflag:s22] =	ssyncset.done $0x0  }
0x214: {  	s1 =	simm.s32 @!p0 $0x0;
	[sflag:s22] =	ssyncadd.s32 $0xFFFFD800  }
0x215: {  	[tilespmem:s15], [sflag:$0x9] =	stream.linear.gather @!p0 [hbm4b:s14+s1], $0x800, $0x200038;
	v63 =	vld [tilespmem:$0x0]  }
0x216: {  	s4 =	sor.u32 @!p0 $0x1000, s15  }
0x217: {  	[tilespmem:s4], [sflag:$0x9] =	stream.linear.gather @!p0 [hbm4b:s5+s1], $0x800, $0x200038;
	v63 =	vld [tilespmem:$0x0]  }
0x218: {  	[bflag:$0x0] =	sbarrier.arrive $0xFFFF  }
0x219: {  	_ =	strace $0x9000004A  }
0x21a: {  	_ =	strace $0x8000004B  }
0x21b: {  	s13 =	sld [smem:$0x7FC]  }
0x21c: {  	s14 =	sld [smem:$0x7F5];
	_ =	sdelay $0x1  }
0x21d: {  	s5 =	simm.s32 $0xA;
	s12 =	rddreg [dreg:$0x9]  }
0x21e: {  	[hbm:s12], [sflag:s13] =	dma.local [spmem:s14], $0x500  }
0x21f: {  	_ =	swait.ge [sflag:s5], $0x500  }
0x220: {  	s16 =	sld [smem:$0x7F6]  }
0x221: {  	[sflag:s5] =	ssyncset.done $0x0  }
0x222: {  	s15 =	rddreg [dreg:$0xa];
	[sflag:s5] =	ssyncadd.s32 $0xFFFFFB00  }
0x223: {  	[hbm:s15], [sflag:s13] =	dma.local [spmem:s16], $0x500  }
0x224: {  	_ =	swait.ge [sflag:s5], $0x500  }
0x225: {  	s18 =	sld [smem:$0x7F7]  }
0x226: {  	[sflag:s5] =	ssyncset.done $0x0  }
0x227: {  	s17 =	rddreg [dreg:$0xb];
	[sflag:s5] =	ssyncadd.s32 $0xFFFFFB00  }
0x228: {  	[hbm:s17], [sflag:s13] =	dma.local [spmem:s18], $0x500  }
0x229: {  	_ =	swait.ge [sflag:s5], $0x500  }
0x22a: {  	s20 =	sld [smem:$0x7F8]  }
0x22b: {  	[sflag:s5] =	ssyncset.done $0x0  }
0x22c: {  	s19 =	rddreg [dreg:$0xc];
	[sflag:s5] =	ssyncadd.s32 $0xFFFFFB00  }
0x22d: {  	[hbm:s19], [sflag:s13] =	dma.local [spmem:s20], $0x500  }
0x22e: {  	_ =	swait.ge [sflag:s5], $0x500  }
0x22f: {  	s22 =	sld [smem:$0x7F9]  }
0x230: {  	[sflag:s5] =	ssyncset.done $0x0  }
0x231: {  	s21 =	rddreg [dreg:$0xd];
	[sflag:s5] =	ssyncadd.s32 $0xFFFFFB00  }
0x232: {  	[hbm:s21], [sflag:s13] =	dma.local [spmem:s22], $0x500  }
0x233: {  	_ =	swait.ge [sflag:s5], $0x500  }
0x234: {  	s24 =	sld [smem:$0x7FA]  }
0x235: {  	[sflag:s5] =	ssyncset.done $0x0  }
0x236: {  	s23 =	rddreg [dreg:$0xe];
	[sflag:s5] =	ssyncadd.s32 $0xFFFFFB00  }
0x237: {  	[hbm:s23], [sflag:s13] =	dma.local [spmem:s24], $0x500  }
0x238: {  	_ =	swait.ge [sflag:s5], $0x500  }
0x239: {  	s26 =	sld [smem:$0x7FB]  }
0x23a: {  	[sflag:s5] =	ssyncset.done $0x0  }
0x23b: {  	s25 =	rddreg [dreg:$0xf];
	[sflag:s5] =	ssyncadd.s32 $0xFFFFFB00  }
0x23c: {  	[hbm:s25], [sflag:s13] =	dma.local [spmem:s26], $0x500  }
0x23d: {  	_ =	swait.ge [sflag:s5], $0x500  }
0x23e: {  	s29 =	sld [smem:$0x7FD]  }
0x23f: {  	[sflag:s5] =	ssyncset.done $0x0  }
0x240: {  	s28 =	rddreg [dreg:$0x10];
	[sflag:s5] =	ssyncadd.s32 $0xFFFFFB00  }
0x241: {  	[hbm:s28], [sflag:s13] =	dma.local [spmem:s29], $0x500  }
0x242: {  	_ =	swait.ge [sflag:s5], $0x500  }
0x243: {  	s30 =	sld [smem:$0x7F4];
	_ =	sdelay $0x2  }
0x244: {  	s31 =	rddreg [dreg:$0x14];
	s2 =	sadd.s32 $0x1, s30  }
0x245: {  	p0 =	sne.s32 s2, s31  }
.Ltmp1:
0x246: {  	_ = 	snop;
	(pc) =	sbr.rel @p0 .LBB2_1-.Ltmp1, $4  }
0x247: {  	_ = 	snop  }
0x248: {  	[sflag:s5] =	ssyncset.done $0x0  }
0x249: {  	[sflag:s5] =	ssyncadd.s32 $0xFFFFFB00  }
0x24a: {  	_ =	strace $0x9000004B  }
0x24b: {  	_ =	sfence.sel $0x180000  }
0x24c: {  	[bflag:$0x0] =	sbarrier.arrive $0xFFFF  }
0x24d: {  	_ =	strace $0x90000047  }
0x24e: {  	s0 =	stileid.u32;
	[bflag:$0x2] =	sbarrier.arrive $0xFFFF  }
0x24f: {  	p0 =	sne.s32 s0, $0x0;
	s0 =	rddreg [dreg:$0x4]  }
0x250: {  	s0 =	sadd.s32 @!p0 $0x100000, s0  }
0x251: {  	[sflag:s0] =	ssyncadd.tile.s32 @!p0 $0x1;
	_ =	shalt  }
.Lfunc_end2:
_tile_overlayer_lowered:
.L_overlay_start_2:
0x252: {  	(tag) =	ssettag $0x2  }
0x253: {  	s0 =	rddreg [dreg:$0x0];
	s2 =	stileid.u32  }
0x254: {  	s1 =	rddreg [dreg:$0x1];
	p0 =	sne.s32 s2, $0x0  }
0x255: {  	s3 =	rddreg [dreg:$0x2];
	[bflag:$0x3] =	sbarrier.arrive $0xFFFF;
	s2 =	simm.s32 @!p0 $0x1C0A  }
0x256: {  	[timem:s3], [sflag:s2] =	dma.local @!p0 [hbm:s0], s1  }
0x257: {  	s0 =	simm.s32 @!p0 $0xA  }
0x258: {  	_ =	swait.ge @!p0 [sflag:s0], s1  }
0x259: {  	s1 =	ssub.s32 @!p0 $0x0, s1;
	[sflag:s0] =	ssyncset.done @!p0 $0x0  }
0x25a: {  	[sflag:s0] =	ssyncadd.s32 @!p0 s1  }
0x25b: {  	[bflag:$0x3] =	sbarrier.arrive $0xFFFF  }
0x25c: {  	_ =	shalt  }

</sc_bundles>
